<compile_context>
chip_gen: v7x
topology: tpu7x:2x2x1
jax: 0.10.2.dev20260603
libtpu: 0.0.44.dev20260713+nightly
codegen_flags: <defaults>
</compile_context>

<pallas_src>
import functools
import jax
import jax.numpy as jnp
from jax import lax
from jax.experimental import pallas as pl
from jax.experimental.pallas import tpu as pltpu
from jax.experimental.pallas import tpu_sc as plsc

_LEAKY = 0.2
_EPS = 1e-5
_NEG = -1.0e30

_R = 256
_RN = 2048


def _knn_kernel(xf_ref, xbt_ref, idx_ref, *, n, k_top):
    xf = xf_ref[0]
    xbt = xbt_ref[0]
    inner = jax.lax.dot_general(
        xbt, xf, (((1,), (0,)), ((), ())),
        preferred_element_type=jnp.float32)
    xxf = jnp.sum(xf * xf, axis=0)
    xxb = jnp.sum(xbt * xbt, axis=1)
    d = 2.0 * inner - xxb[:, None] - xxf[None, :]
    col = jax.lax.broadcasted_iota(jnp.int32, d.shape, 1)
    for k in range(k_top):
        j = jnp.argmax(d, axis=1).astype(jnp.int32)[:, None]
        idx_ref[0, :, k] = j[:, 0]
        d = jnp.where(col == j, _NEG, d)


def _sc_gather_kernel(idx_hbm, xt_hbm, out_hbm, idx_v, tab_v, chan_v, *,
                      tasks_per_worker, n, k_top, n_ch):
    wid = lax.axis_index("s") * 2 + lax.axis_index("c")

    def task(t_local, carry):
        t = wid * tasks_per_worker + t_local
        b = t // k_top
        pltpu.sync_copy(xt_hbm.at[b], tab_v)
        pltpu.sync_copy(idx_hbm.at[t], idx_v)

        def chunk(i, carry2):
            rows = idx_v[pl.ds(i * 16, 16)]
            off = rows * n_ch
            for c in range(n_ch):
                chan_v[pl.ds(c * n + i * 16, 16)] = plsc.load_gather(
                    tab_v, [off + c])
            return carry2

        lax.fori_loop(0, n // 16, chunk, 0)
        pltpu.sync_copy(chan_v, out_hbm.at[t])
        return carry

    lax.fori_loop(0, tasks_per_worker, task, 0)


def _stats0_kernel(c_ref, nbr_ref, a_ref, bm_ref, b0_ref, s1_ref, s2_ref):
    first = (pl.program_id(0) == 0) & (pl.program_id(1) == 0) & (pl.program_id(2) == 0)
    c = c_ref[0]
    nb = nbr_ref[0]
    h0 = (jax.lax.dot_general(a_ref[...], c, (((1,), (0,)), ((), ())),
                              preferred_element_type=jnp.float32)
          + jax.lax.dot_general(bm_ref[...], nb, (((1,), (0,)), ((), ())),
                                preferred_element_type=jnp.float32)
          + b0_ref[...])
    s1 = jnp.sum(h0, axis=1, keepdims=True)
    s2 = jnp.sum(h0 * h0, axis=1, keepdims=True)
    s1_ref[...] = jnp.where(first, s1, s1_ref[...] + s1)
    s2_ref[...] = jnp.where(first, s2, s2_ref[...] + s2)


def _stats1_kernel(c_ref, nbr_ref, afs_ref, bfs_ref, c0_ref, w1_ref, b1_ref,
                   s1_ref, s2_ref):
    first = (pl.program_id(0) == 0) & (pl.program_id(1) == 0) & (pl.program_id(2) == 0)
    c = c_ref[0]
    nb = nbr_ref[0]
    h0 = (jax.lax.dot_general(afs_ref[...], c, (((1,), (0,)), ((), ())),
                              preferred_element_type=jnp.float32)
          + jax.lax.dot_general(bfs_ref[...], nb, (((1,), (0,)), ((), ())),
                                preferred_element_type=jnp.float32)
          + c0_ref[...])
    g0 = jnp.where(h0 >= 0, h0, _LEAKY * h0)
    h1 = jax.lax.dot_general(w1_ref[...], g0, (((1,), (0,)), ((), ())),
                             preferred_element_type=jnp.float32) + b1_ref[...]
    s1 = jnp.sum(h1, axis=1, keepdims=True)
    s2 = jnp.sum(h1 * h1, axis=1, keepdims=True)
    s1_ref[...] = jnp.where(first, s1, s1_ref[...] + s1)
    s2_ref[...] = jnp.where(first, s2, s2_ref[...] + s2)


def _final_kernel(c_ref, nbr_ref, afs_ref, bfs_ref, c0_ref, w1s_ref, c1_ref,
                  out_ref):
    k = pl.program_id(2)
    c = c_ref[0]
    nb = nbr_ref[0]
    h0 = (jax.lax.dot_general(afs_ref[...], c, (((1,), (0,)), ((), ())),
                              preferred_element_type=jnp.float32)
          + jax.lax.dot_general(bfs_ref[...], nb, (((1,), (0,)), ((), ())),
                                preferred_element_type=jnp.float32)
          + c0_ref[...])
    g0 = jnp.where(h0 >= 0, h0, _LEAKY * h0)
    h1 = jax.lax.dot_general(w1s_ref[...], g0, (((1,), (0,)), ((), ())),
                             preferred_element_type=jnp.float32) + c1_ref[...]
    y = jnp.where(h1 >= 0, h1, _LEAKY * h1)
    out_ref[0] = jnp.where(k == 0, y, jnp.maximum(out_ref[0], y))


def kernel(points, W0, b0, gamma0, beta0, W1, b1, gamma1, beta1):
    B, C, N = points.shape
    K = 20
    O0 = W0.shape[0]
    O1 = W1.shape[0]
    xt = jnp.transpose(points, (0, 2, 1))

    knn = pl.pallas_call(
        functools.partial(_knn_kernel, n=N, k_top=K),
        grid=(B, N // _R),
        in_specs=[
            pl.BlockSpec((1, C, N), lambda b, nb: (b, 0, 0)),
            pl.BlockSpec((1, _R, C), lambda b, nb: (b, nb, 0)),
        ],
        out_specs=pl.BlockSpec((1, _R, K), lambda b, nb: (b, nb, 0)),
        out_shape=jax.ShapeDtypeStruct((B, N, K), jnp.int32),
    )
    idx = knn(points, xt)

    idx_t = jnp.transpose(idx, (0, 2, 1)).reshape(B * K, N)
    xt_flat = xt.reshape(B, N * C)
    n_workers = 32
    tasks_per_worker = (B * K) // n_workers
    mesh = plsc.VectorSubcoreMesh(core_axis_name="c", subcore_axis_name="s")
    sc_gather = pl.kernel(
        functools.partial(_sc_gather_kernel, tasks_per_worker=tasks_per_worker,
                          n=N, k_top=K, n_ch=C),
        mesh=mesh,
        compiler_params=pltpu.CompilerParams(needs_layout_passes=False),
        out_type=jax.ShapeDtypeStruct((B * K, C * N), jnp.float32),
        scratch_types=[
            pltpu.VMEM((N,), jnp.int32),
            pltpu.VMEM((N * C,), jnp.float32),
            pltpu.VMEM((C * N,), jnp.float32),
        ],
    )
    nbr = sc_gather(idx_t, xt_flat).reshape(B * K, C, N)

    A = W0[:, :C] - W0[:, C:]
    Bm = W0[:, C:]
    b0c = b0[:, None]

    grid = (B, N // _RN, K)
    c_spec = pl.BlockSpec((1, C, _RN), lambda b, nb, k: (b, 0, nb))
    nbr_spec = pl.BlockSpec((1, C, _RN), lambda b, nb, k: (b * K + k, 0, nb))
    w3_spec = pl.BlockSpec((O0, C), lambda b, nb, k: (0, 0))
    v_spec = pl.BlockSpec((O0, 1), lambda b, nb, k: (0, 0))
    s_shape = jax.ShapeDtypeStruct((O0, 1), jnp.float32)

    s1, s2 = pl.pallas_call(
        _stats0_kernel,
        grid=grid,
        in_specs=[c_spec, nbr_spec, w3_spec, w3_spec, v_spec],
        out_specs=(v_spec, v_spec),
        out_shape=(s_shape, s_shape),
    )(points, nbr, A, Bm, b0c)

    M = B * N * K
    mean0 = s1[:, 0] / M
    var0 = s2[:, 0] / M - mean0 * mean0
    sc0 = gamma0 / jnp.sqrt(var0 + _EPS)
    Afs = A * sc0[:, None]
    Bfs = Bm * sc0[:, None]
    c0 = (b0 * sc0 + beta0 - mean0 * sc0)[:, None]

    w1_spec = pl.BlockSpec((O1, O0), lambda b, nb, k: (0, 0))
    t1, t2 = pl.pallas_call(
        _stats1_kernel,
        grid=grid,
        in_specs=[c_spec, nbr_spec, w3_spec, w3_spec, v_spec, w1_spec, v_spec],
        out_specs=(v_spec, v_spec),
        out_shape=(s_shape, s_shape),
    )(points, nbr, Afs, Bfs, c0, W1, b1[:, None])

    mean1 = t1[:, 0] / M
    var1 = t2[:, 0] / M - mean1 * mean1
    sc1 = gamma1 / jnp.sqrt(var1 + _EPS)
    W1s = W1 * sc1[:, None]
    c1 = (b1 * sc1 + beta1 - mean1 * sc1)[:, None]

    out = pl.pallas_call(
        _final_kernel,
        grid=grid,
        in_specs=[c_spec, nbr_spec, w3_spec, w3_spec, v_spec, w1_spec, v_spec],
        out_specs=pl.BlockSpec((1, O1, _RN), lambda b, nb, k: (b, 0, nb)),
        out_shape=jax.ShapeDtypeStruct((B, O1, N), jnp.float32),
    )(points, nbr, Afs, Bfs, c0, W1s, c1)
    return out

# --- scband reference (transcript-rebuilt; emitter-appended) ---
"""Pipeline reference for scband-edge-conv-59158879535425 (READ-ONLY COPY).

The authoritative reference and input builder live on the scoring server;
editing this copy changes nothing except your own understanding.
"""

import jax, jax.numpy as jnp
import numpy as np

B, C, N, K = 8, 3, 2048, 20
OUT_DIMS = [64, 64]
LEAKY = 0.2
EPS = 1e-5


def setup_inputs(seed: int = 0) -> dict:
    key = jax.random.key(seed)
    ks = jax.random.split(key, 1 + 4 * len(OUT_DIMS))
    inp = {"points": jax.random.normal(ks[0], (B, C, N), dtype=jnp.float32)}
    in_ch = 2 * C
    j = 1
    for i, out_ch in enumerate(OUT_DIMS):
        inp[f"W{i}"] = jax.random.normal(ks[j], (out_ch, in_ch), dtype=jnp.float32) * (1.0 / np.sqrt(in_ch)); j += 1
        inp[f"b{i}"] = jnp.zeros((out_ch,), dtype=jnp.float32)
        inp[f"gamma{i}"] = jnp.ones((out_ch,), dtype=jnp.float32)
        inp[f"beta{i}"] = jnp.zeros((out_ch,), dtype=jnp.float32)
        j += 3
        in_ch = out_ch
    return inp


def _graph_feature(x, k):
    # x: [B, C, N] -> edge features [B, 2C, N, k] via dynamic kNN graph
    xx = jnp.sum(x * x, axis=1)                       # [B, N]
    inner = jnp.einsum('bcn,bcm->bnm', x, x)          # [B, N, N]
    neg_sqdist = 2.0 * inner - xx[:, :, None] - xx[:, None, :]
    _, idx = jax.lax.top_k(neg_sqdist, k)             # [B, N, k] nearest neighbors
    xt = jnp.transpose(x, (0, 2, 1))                  # [B, N, C]
    nbr = jax.vmap(lambda t, i: t[i])(xt, idx)        # [B, N, k, C]
    central = jnp.broadcast_to(xt[:, :, None, :], nbr.shape)
    feat = jnp.concatenate([central, nbr - central], axis=-1)  # [B, N, k, 2C]
    return jnp.transpose(feat, (0, 3, 1, 2))          # [B, 2C, N, k]


def _bn(x, gamma, beta):
    mean = jnp.mean(x, axis=(0, 2, 3), keepdims=True)
    var = jnp.var(x, axis=(0, 2, 3), keepdims=True)
    xh = (x - mean) / jnp.sqrt(var + EPS)
    return xh * gamma[None, :, None, None] + beta[None, :, None, None]


def _leaky(x):
    return jnp.where(x >= 0, x, LEAKY * x)


def reference(points, W0, b0, gamma0, beta0, W1, b1, gamma1, beta1):
    feat = _graph_feature(points, K)                  # [B, 2C, N, K]
    # shared MLP: conv2d 1x1 + BN + LeakyReLU, twice
    h = jnp.einsum('oc,bcnk->bonk', W0, feat) + b0[None, :, None, None]
    h = _leaky(_bn(h, gamma0, beta0))
    h = jnp.einsum('oc,bcnk->bonk', W1, h) + b1[None, :, None, None]
    h = _leaky(_bn(h, gamma1, beta1))
    out = jnp.max(h, axis=3)                          # [B, out_dim, N]
    return out

if __name__ == "__main__":
    import jax
    _d = setup_inputs()
    print(jax.jit(kernel)(*tuple(_d.values())))

</pallas_src>

<mosaic_0001>
#map = affine_map<(d0, d1) -> (0, 0)>
module attributes {stable_mosaic.version = 14 : i64} {
  func.func @_sc_gather_kernel(%arg0: i32, %arg1: i32, %arg2: memref<160x2048xi32, #tpu.memory_space<hbm>>, %arg3: memref<8x6144xf32, #tpu.memory_space<hbm>>, %arg4: memref<160x6144xf32, #tpu.memory_space<hbm>>, %arg5: memref<2048xi32, #tpu.memory_space<vmem>>, %arg6: memref<6144xf32, #tpu.memory_space<vmem>>, %arg7: memref<6144xf32, #tpu.memory_space<vmem>>) attributes {dimension_semantics = [#tpu.dimension_semantics<core_parallel>, #tpu.dimension_semantics<subcore_parallel>], iteration_bounds = array<i64: 2, 16>, scalar_prefetch = 0 : i64, scratch_operands = 3 : i64, tpu.core_type = #tpu.core_type<sc_vector_subcore>, window_params = [{transform_indices = #map}, {transform_indices = #map}, {transform_indices = #map}]} {
    %mul3A = arith.constant 2 : i32
    %mul3A_0 = arith.muli %arg1, %mul3A : i32
    %add3A = arith.addi %mul3A_0, %arg0 : i32
    %scan3A = arith.constant 0 : i32
    %scan3A_1 = arith.constant 0 : i32
    %scan3A_2 = arith.constant 5 : i32
    %scan3A_3 = arith.addi %scan3A_1, %scan3A_2 : i32
    %scan3A_4 = arith.constant 1 : i32
    scf.for %scan3A_6 = %scan3A_1 to %scan3A_3 step %scan3A_4  : i32 {
      %mul3A_7 = arith.constant 5 : i32
      %mul3A_8 = arith.muli %add3A, %mul3A_7 : i32
      %add3A_9 = arith.addi %mul3A_8, %scan3A_6 : i32
      %jit3A = arith.constant 20 : i32
      %div3A = arith.divsi %add3A_9, %jit3A : i32
      %sign3A = arith.constant 0 : i32
      %sign3A_10 = arith.cmpi sgt, %add3A_9, %sign3A : i32
      %sign3A_11 = arith.extui %sign3A_10 : i1 to i32
      %sign3A_12 = arith.constant 0 : i32
      %sign3A_13 = arith.cmpi slt, %add3A_9, %sign3A_12 : i32
      %sign3A_14 = arith.extui %sign3A_13 : i1 to i32
      %sign3A_15 = arith.subi %sign3A_11, %sign3A_14 : i32
      %sign3A_16 = arith.constant 0 : i32
      %sign3A_17 = arith.cmpi sgt, %jit3A, %sign3A_16 : i32
      %sign3A_18 = arith.extui %sign3A_17 : i1 to i32
      %sign3A_19 = arith.constant 0 : i32
      %sign3A_20 = arith.cmpi slt, %jit3A, %sign3A_19 : i32
      %sign3A_21 = arith.extui %sign3A_20 : i1 to i32
      %sign3A_22 = arith.subi %sign3A_18, %sign3A_21 : i32
      %ne3A = arith.cmpi ne, %sign3A_15, %sign3A_22 : i32
      %rem3A = arith.remsi %add3A_9, %jit3A : i32
      %ne3A_23 = arith.constant 0 : i32
      %ne3A_24 = arith.cmpi ne, %rem3A, %ne3A_23 : i32
      %and3A = arith.andi %ne3A, %ne3A_24 : i1
      %sub3A = arith.constant 1 : i32
      %sub3A_25 = arith.subi %div3A, %sub3A : i32
      %select_n3A = arith.select %and3A, %sub3A_25, %div3A : i32
      "tpu.region"() ({
        %run_scoped3A = tpu.sem_alloc : memref<!tpu.dma_semaphore, #tpu.memory_space<semaphore_mem>>
        %dma_start3A = arith.constant 0 : i32
        %dma_start3A_32 = tpu.memref_slice %arg3[%select_n3A, %dma_start3A] : memref<8x6144xf32, #tpu.memory_space<hbm>> -> memref<1x6144xf32, #tpu.memory_space<hbm>>
        %dma_start3A_33 = tpu.memref_squeeze %dma_start3A_32 : memref<1x6144xf32, #tpu.memory_space<hbm>> -> memref<6144xf32, #tpu.memory_space<hbm>>
        %dma_start3A_34 = arith.constant 0 : i32
        %dma_start3A_35 = tpu.memref_slice %arg3[%select_n3A, %dma_start3A_34] : memref<8x6144xf32, #tpu.memory_space<hbm>> -> memref<1x6144xf32, #tpu.memory_space<hbm>>
        %dma_start3A_36 = tpu.memref_squeeze %dma_start3A_35 : memref<1x6144xf32, #tpu.memory_space<hbm>> -> memref<6144xf32, #tpu.memory_space<hbm>>
        tpu.enqueue_dma source(%dma_start3A_36 : memref<6144xf32, #tpu.memory_space<hbm>>) target(%arg6 : memref<6144xf32, #tpu.memory_space<vmem>>) target_semaphore(%run_scoped3A : memref<!tpu.dma_semaphore, #tpu.memory_space<semaphore_mem>>)
        %dma_wait3A = arith.constant 0 : i32
        %dma_wait3A_37 = tpu.memref_slice %arg3[%select_n3A, %dma_wait3A] : memref<8x6144xf32, #tpu.memory_space<hbm>> -> memref<1x6144xf32, #tpu.memory_space<hbm>>
        %dma_wait3A_38 = tpu.memref_squeeze %dma_wait3A_37 : memref<1x6144xf32, #tpu.memory_space<hbm>> -> memref<6144xf32, #tpu.memory_space<hbm>>
        %dma_wait3A_39 = arith.constant 0 : i32
        %dma_wait3A_40 = tpu.memref_slice %arg3[%select_n3A, %dma_wait3A_39] : memref<8x6144xf32, #tpu.memory_space<hbm>> -> memref<1x6144xf32, #tpu.memory_space<hbm>>
        %dma_wait3A_41 = tpu.memref_squeeze %dma_wait3A_40 : memref<1x6144xf32, #tpu.memory_space<hbm>> -> memref<6144xf32, #tpu.memory_space<hbm>>
        tpu.wait_dma2 semaphore(%run_scoped3A : memref<!tpu.dma_semaphore, #tpu.memory_space<semaphore_mem>>) src(%dma_wait3A_41 : memref<6144xf32, #tpu.memory_space<hbm>>) dst(%arg6 : memref<6144xf32, #tpu.memory_space<vmem>>)
        tpu.yield
      }) : () -> ()
      "tpu.region"() ({
        %run_scoped3A = tpu.sem_alloc : memref<!tpu.dma_semaphore, #tpu.memory_space<semaphore_mem>>
        %dma_start3A = arith.constant 0 : i32
        %dma_start3A_32 = tpu.memref_slice %arg2[%add3A_9, %dma_start3A] : memref<160x2048xi32, #tpu.memory_space<hbm>> -> memref<1x2048xi32, #tpu.memory_space<hbm>>
        %dma_start3A_33 = tpu.memref_squeeze %dma_start3A_32 : memref<1x2048xi32, #tpu.memory_space<hbm>> -> memref<2048xi32, #tpu.memory_space<hbm>>
        %dma_start3A_34 = arith.constant 0 : i32
        %dma_start3A_35 = tpu.memref_slice %arg2[%add3A_9, %dma_start3A_34] : memref<160x2048xi32, #tpu.memory_space<hbm>> -> memref<1x2048xi32, #tpu.memory_space<hbm>>
        %dma_start3A_36 = tpu.memref_squeeze %dma_start3A_35 : memref<1x2048xi32, #tpu.memory_space<hbm>> -> memref<2048xi32, #tpu.memory_space<hbm>>
        tpu.enqueue_dma source(%dma_start3A_36 : memref<2048xi32, #tpu.memory_space<hbm>>) target(%arg5 : memref<2048xi32, #tpu.memory_space<vmem>>) target_semaphore(%run_scoped3A : memref<!tpu.dma_semaphore, #tpu.memory_space<semaphore_mem>>)
        %dma_wait3A = arith.constant 0 : i32
        %dma_wait3A_37 = tpu.memref_slice %arg2[%add3A_9, %dma_wait3A] : memref<160x2048xi32, #tpu.memory_space<hbm>> -> memref<1x2048xi32, #tpu.memory_space<hbm>>
        %dma_wait3A_38 = tpu.memref_squeeze %dma_wait3A_37 : memref<1x2048xi32, #tpu.memory_space<hbm>> -> memref<2048xi32, #tpu.memory_space<hbm>>
        %dma_wait3A_39 = arith.constant 0 : i32
        %dma_wait3A_40 = tpu.memref_slice %arg2[%add3A_9, %dma_wait3A_39] : memref<160x2048xi32, #tpu.memory_space<hbm>> -> memref<1x2048xi32, #tpu.memory_space<hbm>>
        %dma_wait3A_41 = tpu.memref_squeeze %dma_wait3A_40 : memref<1x2048xi32, #tpu.memory_space<hbm>> -> memref<2048xi32, #tpu.memory_space<hbm>>
        tpu.wait_dma2 semaphore(%run_scoped3A : memref<!tpu.dma_semaphore, #tpu.memory_space<semaphore_mem>>) src(%dma_wait3A_41 : memref<2048xi32, #tpu.memory_space<hbm>>) dst(%arg5 : memref<2048xi32, #tpu.memory_space<vmem>>)
        tpu.yield
      }) : () -> ()
      %scan3A_26 = arith.constant 0 : i32
      %scan3A_27 = arith.constant 0 : i32
      %scan3A_28 = arith.constant 128 : i32
      %scan3A_29 = arith.addi %scan3A_27, %scan3A_28 : i32
      %scan3A_30 = arith.constant 1 : i32
      scf.for %scan3A_32 = %scan3A_27 to %scan3A_29 step %scan3A_30  : i32 {
        %mul3A_33 = arith.constant 16 : i32
        %mul3A_34 = arith.muli %scan3A_32, %mul3A_33 : i32
        %get3A = arith.index_cast %mul3A_34 : i32 to index
        %get3A_35 = tpu.vector_load %arg5[%get3A] {strides = array<i32>} : memref<2048xi32, #tpu.memory_space<vmem>>, vector<16xi32>,
        %mul3A_36 = arith.constant 3 : i32
        %mul3A_37 = vector.broadcast %mul3A_36 : i32 to vector<16xi32>
        %mul3A_38 = arith.muli %get3A_35, %mul3A_37 : vector<16xi32>
        %add3A_39 = arith.constant 0 : i32
        %add3A_40 = vector.broadcast %add3A_39 : i32 to vector<16xi32>
        %add3A_41 = arith.addi %mul3A_38, %add3A_40 : vector<16xi32>
        %gather3A = tpu.vector_load_idx %arg6[%add3A_41] : memref<6144xf32, #tpu.memory_space<vmem>>[vector<16xi32>], vector<16xf32>,
        %mul3A_42 = arith.constant 16 : i32
        %mul3A_43 = arith.muli %scan3A_32, %mul3A_42 : i32
        %add3A_44 = arith.constant 0 : i32
        %add3A_45 = arith.addi %add3A_44, %mul3A_43 : i32
        %swap3A = arith.index_cast %add3A_45 : i32 to index
        %swap3A_46 = tpu.vector_load %arg7[%swap3A] {strides = array<i32>} : memref<6144xf32, #tpu.memory_space<vmem>>, vector<16xf32>,
        tpu.vector_store %arg7[%swap3A], %gather3A {strides = array<i32>} : memref<6144xf32, #tpu.memory_space<vmem>>, vector<16xf32>,
        %add3A_47 = arith.constant 1 : i32
        %add3A_48 = vector.broadcast %add3A_47 : i32 to vector<16xi32>
        %add3A_49 = arith.addi %mul3A_38, %add3A_48 : vector<16xi32>
        %gather3A_50 = tpu.vector_load_idx %arg6[%add3A_49] : memref<6144xf32, #tpu.memory_space<vmem>>[vector<16xi32>], vector<16xf32>,
        %mul3A_51 = arith.constant 16 : i32
        %mul3A_52 = arith.muli %scan3A_32, %mul3A_51 : i32
        %add3A_53 = arith.constant 2048 : i32
        %add3A_54 = arith.addi %add3A_53, %mul3A_52 : i32
        %swap3A_55 = arith.index_cast %add3A_54 : i32 to index
        %swap3A_56 = tpu.vector_load %arg7[%swap3A_55] {strides = array<i32>} : memref<6144xf32, #tpu.memory_space<vmem>>, vector<16xf32>,
        tpu.vector_store %arg7[%swap3A_55], %gather3A_50 {strides = array<i32>} : memref<6144xf32, #tpu.memory_space<vmem>>, vector<16xf32>,
        %add3A_57 = arith.constant 2 : i32
        %add3A_58 = vector.broadcast %add3A_57 : i32 to vector<16xi32>
        %add3A_59 = arith.addi %mul3A_38, %add3A_58 : vector<16xi32>
        %gather3A_60 = tpu.vector_load_idx %arg6[%add3A_59] : memref<6144xf32, #tpu.memory_space<vmem>>[vector<16xi32>], vector<16xf32>,
        %mul3A_61 = arith.constant 16 : i32
        %mul3A_62 = arith.muli %scan3A_32, %mul3A_61 : i32
        %add3A_63 = arith.constant 4096 : i32
        %add3A_64 = arith.addi %add3A_63, %mul3A_62 : i32
        %swap3A_65 = arith.index_cast %add3A_64 : i32 to index
        %swap3A_66 = tpu.vector_load %arg7[%swap3A_65] {strides = array<i32>} : memref<6144xf32, #tpu.memory_space<vmem>>, vector<16xf32>,
        tpu.vector_store %arg7[%swap3A_65], %gather3A_60 {strides = array<i32>} : memref<6144xf32, #tpu.memory_space<vmem>>, vector<16xf32>,
      }
      %scan3A_31 = arith.constant 128 : i32
      "tpu.region"() ({
        %run_scoped3A = tpu.sem_alloc : memref<!tpu.dma_semaphore, #tpu.memory_space<semaphore_mem>>
        %dma_start3A = arith.constant 0 : i32
        %dma_start3A_32 = tpu.memref_slice %arg4[%add3A_9, %dma_start3A] : memref<160x6144xf32, #tpu.memory_space<hbm>> -> memref<1x6144xf32, #tpu.memory_space<hbm>>
        %dma_start3A_33 = tpu.memref_squeeze %dma_start3A_32 : memref<1x6144xf32, #tpu.memory_space<hbm>> -> memref<6144xf32, #tpu.memory_space<hbm>>
        %dma_start3A_34 = arith.constant 0 : i32
        %dma_start3A_35 = tpu.memref_slice %arg4[%add3A_9, %dma_start3A_34] : memref<160x6144xf32, #tpu.memory_space<hbm>> -> memref<1x6144xf32, #tpu.memory_space<hbm>>
        %dma_start3A_36 = tpu.memref_squeeze %dma_start3A_35 : memref<1x6144xf32, #tpu.memory_space<hbm>> -> memref<6144xf32, #tpu.memory_space<hbm>>
        tpu.enqueue_dma source(%arg7 : memref<6144xf32, #tpu.memory_space<vmem>>) target(%dma_start3A_36 : memref<6144xf32, #tpu.memory_space<hbm>>) target_semaphore(%run_scoped3A : memref<!tpu.dma_semaphore, #tpu.memory_space<semaphore_mem>>)
        %dma_wait3A = arith.constant 0 : i32
        %dma_wait3A_37 = tpu.memref_slice %arg4[%add3A_9, %dma_wait3A] : memref<160x6144xf32, #tpu.memory_space<hbm>> -> memref<1x6144xf32, #tpu.memory_space<hbm>>
        %dma_wait3A_38 = tpu.memref_squeeze %dma_wait3A_37 : memref<1x6144xf32, #tpu.memory_space<hbm>> -> memref<6144xf32, #tpu.memory_space<hbm>>
        %dma_wait3A_39 = arith.constant 0 : i32
        %dma_wait3A_40 = tpu.memref_slice %arg4[%add3A_9, %dma_wait3A_39] : memref<160x6144xf32, #tpu.memory_space<hbm>> -> memref<1x6144xf32, #tpu.memory_space<hbm>>
        %dma_wait3A_41 = tpu.memref_squeeze %dma_wait3A_40 : memref<1x6144xf32, #tpu.memory_space<hbm>> -> memref<6144xf32, #tpu.memory_space<hbm>>
        tpu.wait_dma2 semaphore(%run_scoped3A : memref<!tpu.dma_semaphore, #tpu.memory_space<semaphore_mem>>) src(%arg7 : memref<6144xf32, #tpu.memory_space<vmem>>) dst(%dma_wait3A_41 : memref<6144xf32, #tpu.memory_space<hbm>>)
        tpu.yield
      }) : () -> ()
    }
    %scan3A_5 = arith.constant 5 : i32
    return
  }
}

module attributes {stable_mosaic.version = 14 : i64} {
  func.func @_knn_kernel(%arg0: i32, %arg1: i32, %arg2: memref<1x3x2048xf32, #tpu.memory_space<vmem>>, %arg3: memref<1x256x3xf32, #tpu.memory_space<vmem>>, %arg4: memref<1x256x20xi32, #tpu.memory_space<vmem>>) attributes {dimension_semantics = [#tpu.dimension_semantics<arbitrary>, #tpu.dimension_semantics<arbitrary>], iteration_bounds = array<i64: 8, 8>, scalar_prefetch = 0 : i64, scratch_operands = 0 : i64, tpu.core_type = #tpu.core_type<tc>, window_params = [{transform_indices = @transform_0, window_bounds = array<i64: 1, 3, 2048>}, {transform_indices = @transform_1, window_bounds = array<i64: 1, 256, 3>}, {transform_indices = @transform_2, window_bounds = array<i64: 1, 256, 20>}]} {
    %get3A = arith.constant 0 : index
    %get3A_0 = arith.constant 0 : index
    %get3A_1 = arith.constant 0 : index
    %get3A_2 = vector.load %arg2[%get3A, %get3A_0, %get3A_1] : memref<1x3x2048xf32, #tpu.memory_space<vmem>>, vector<1x3x2048xf32>
    %get3A_3 = vector.shape_cast %get3A_2 : vector<1x3x2048xf32> to vector<3x2048xf32>
    %get3A_4 = arith.constant 0 : index
    %get3A_5 = arith.constant 0 : index
    %get3A_6 = arith.constant 0 : index
    %get3A_7 = vector.load %arg3[%get3A_4, %get3A_5, %get3A_6] : memref<1x256x3xf32, #tpu.memory_space<vmem>>, vector<1x256x3xf32>
    %get3A_8 = vector.shape_cast %get3A_7 : vector<1x256x3xf32> to vector<256x3xf32>
    %dot_general3A = arith.constant dense<0.000000e+00> : vector<256x2048xf32>
    %dot_general3A_9 = tpu.matmul %get3A_8, %get3A_3, %dot_general3A {dimension_numbers = #tpu.dot_dimension_numbers<[1], [0], [0], [1], [0, 0, 1, 1], [], []>, transpose_lhs_hint = false} : vector<256x3xf32>, vector<3x2048xf32>, vector<256x2048xf32> -> vector<256x2048xf32>
    %mul3A = arith.mulf %get3A_3, %get3A_3 : vector<3x2048xf32>
    %reduce_sum3A = arith.constant dense<0.000000e+00> : vector<2048xf32>
    %reduce_sum3A_10 = vector.multi_reduction <add>, %mul3A, %reduce_sum3A [0] : vector<3x2048xf32> to vector<2048xf32>
    %mul3A_11 = arith.mulf %get3A_8, %get3A_8 : vector<256x3xf32>
    %reduce_sum3A_12 = arith.constant dense<0.000000e+00> : vector<256xf32>
    %reduce_sum3A_13 = vector.multi_reduction <add>, %mul3A_11, %reduce_sum3A_12 [1] : vector<256x3xf32> to vector<256xf32>
    %mul3A_14 = arith.constant 2.000000e+00 : f32
    %mul3A_15 = vector.broadcast %mul3A_14 : f32 to vector<256x2048xf32>
    %mul3A_16 = arith.mulf %mul3A_15, %dot_general3A_9 : vector<256x2048xf32>
    %broadcast_in_dim3A = vector.shape_cast %reduce_sum3A_13 : vector<256xf32> to vector<256x1xf32>
    %sub3A = vector.broadcast %broadcast_in_dim3A : vector<256x1xf32> to vector<256x2048xf32>
    %sub3A_17 = arith.subf %mul3A_16, %sub3A : vector<256x2048xf32>
    %broadcast_in_dim3A_18 = vector.shape_cast %reduce_sum3A_10 : vector<2048xf32> to vector<1x2048xf32>
    %sub3A_19 = vector.broadcast %broadcast_in_dim3A_18 : vector<1x2048xf32> to vector<256x2048xf32>
    %sub3A_20 = arith.subf %sub3A_17, %sub3A_19 : vector<256x2048xf32>
    %iota3A = tpu.iota {dimensions = array<i32: 1>} : vector<256x2048xi32>
    %argmax3A = tpu.reduce_index %sub3A_20 {axis = 1 : i32, kind = #tpu.reduction_kind<arg_max>} : vector<256x2048xf32> -> vector<256xi32>
    %broadcast_in_dim3A_21 = vector.shape_cast %argmax3A : vector<256xi32> to vector<256x1xi32>
    %squeeze3A = vector.shape_cast %broadcast_in_dim3A_21 : vector<256x1xi32> to vector<256xi32>
    %swap3A = arith.constant 0 : index
    %swap3A_22 = arith.constant 0 : index
    %swap3A_23 = arith.constant 0 : index
    %swap3A_24 = vector.load %arg4[%swap3A, %swap3A_22, %swap3A_23] : memref<1x256x20xi32, #tpu.memory_space<vmem>>, vector<1x256x1xi32>
    %swap3A_25 = vector.shape_cast %swap3A_24 : vector<1x256x1xi32> to vector<256xi32>
    %swap3A_26 = vector.shape_cast %squeeze3A : vector<256xi32> to vector<1x256x1xi32>
    tpu.vector_store %arg4[%swap3A, %swap3A_22, %swap3A_23], %swap3A_26 {strides = array<i32>} : memref<1x256x20xi32, #tpu.memory_space<vmem>>, vector<1x256x1xi32>,
    %eq3A = vector.broadcast %broadcast_in_dim3A_21 : vector<256x1xi32> to vector<256x2048xi32>
    %eq3A_27 = arith.cmpi eq, %iota3A, %eq3A : vector<256x2048xi32>
    %jit3A = arith.constant -1.000000e+30 : f32
    %broadcast_in_dim3A_28 = vector.broadcast %jit3A : f32 to vector<256x2048xf32>
    %select_n3A = arith.select %eq3A_27, %broadcast_in_dim3A_28, %sub3A_20 : vector<256x2048xi1>, vector<256x2048xf32>
    %argmax3A_29 = tpu.reduce_index %select_n3A {axis = 1 : i32, kind = #tpu.reduction_kind<arg_max>} : vector<256x2048xf32> -> vector<256xi32>
    %broadcast_in_dim3A_30 = vector.shape_cast %argmax3A_29 : vector<256xi32> to vector<256x1xi32>
    %squeeze3A_31 = vector.shape_cast %broadcast_in_dim3A_30 : vector<256x1xi32> to vector<256xi32>
    %swap3A_32 = arith.constant 0 : index
    %swap3A_33 = arith.constant 0 : index
    %swap3A_34 = arith.constant 1 : index
    %swap3A_35 = vector.load %arg4[%swap3A_32, %swap3A_33, %swap3A_34] : memref<1x256x20xi32, #tpu.memory_space<vmem>>, vector<1x256x1xi32>
    %swap3A_36 = vector.shape_cast %swap3A_35 : vector<1x256x1xi32> to vector<256xi32>
    %swap3A_37 = vector.shape_cast %squeeze3A_31 : vector<256xi32> to vector<1x256x1xi32>
    tpu.vector_store %arg4[%swap3A_32, %swap3A_33, %swap3A_34], %swap3A_37 {strides = array<i32>} : memref<1x256x20xi32, #tpu.memory_space<vmem>>, vector<1x256x1xi32>,
    %eq3A_38 = vector.broadcast %broadcast_in_dim3A_30 : vector<256x1xi32> to vector<256x2048xi32>
    %eq3A_39 = arith.cmpi eq, %iota3A, %eq3A_38 : vector<256x2048xi32>
    %jit3A_40 = arith.constant -1.000000e+30 : f32
    %broadcast_in_dim3A_41 = vector.broadcast %jit3A_40 : f32 to vector<256x2048xf32>
    %select_n3A_42 = arith.select %eq3A_39, %broadcast_in_dim3A_41, %select_n3A : vector<256x2048xi1>, vector<256x2048xf32>
    %argmax3A_43 = tpu.reduce_index %select_n3A_42 {axis = 1 : i32, kind = #tpu.reduction_kind<arg_max>} : vector<256x2048xf32> -> vector<256xi32>
    %broadcast_in_dim3A_44 = vector.shape_cast %argmax3A_43 : vector<256xi32> to vector<256x1xi32>
    %squeeze3A_45 = vector.shape_cast %broadcast_in_dim3A_44 : vector<256x1xi32> to vector<256xi32>
    %swap3A_46 = arith.constant 0 : index
    %swap3A_47 = arith.constant 0 : index
    %swap3A_48 = arith.constant 2 : index
    %swap3A_49 = vector.load %arg4[%swap3A_46, %swap3A_47, %swap3A_48] : memref<1x256x20xi32, #tpu.memory_space<vmem>>, vector<1x256x1xi32>
    %swap3A_50 = vector.shape_cast %swap3A_49 : vector<1x256x1xi32> to vector<256xi32>
    %swap3A_51 = vector.shape_cast %squeeze3A_45 : vector<256xi32> to vector<1x256x1xi32>
    tpu.vector_store %arg4[%swap3A_46, %swap3A_47, %swap3A_48], %swap3A_51 {strides = array<i32>} : memref<1x256x20xi32, #tpu.memory_space<vmem>>, vector<1x256x1xi32>,
    %eq3A_52 = vector.broadcast %broadcast_in_dim3A_44 : vector<256x1xi32> to vector<256x2048xi32>
    %eq3A_53 = arith.cmpi eq, %iota3A, %eq3A_52 : vector<256x2048xi32>
    %jit3A_54 = arith.constant -1.000000e+30 : f32
    %broadcast_in_dim3A_55 = vector.broadcast %jit3A_54 : f32 to vector<256x2048xf32>
    %select_n3A_56 = arith.select %eq3A_53, %broadcast_in_dim3A_55, %select_n3A_42 : vector<256x2048xi1>, vector<256x2048xf32>
    %argmax3A_57 = tpu.reduce_index %select_n3A_56 {axis = 1 : i32, kind = #tpu.reduction_kind<arg_max>} : vector<256x2048xf32> -> vector<256xi32>
    %broadcast_in_dim3A_58 = vector.shape_cast %argmax3A_57 : vector<256xi32> to vector<256x1xi32>
    %squeeze3A_59 = vector.shape_cast %broadcast_in_dim3A_58 : vector<256x1xi32> to vector<256xi32>
    %swap3A_60 = arith.constant 0 : index
    %swap3A_61 = arith.constant 0 : index
    %swap3A_62 = arith.constant 3 : index
    %swap3A_63 = vector.load %arg4[%swap3A_60, %swap3A_61, %swap3A_62] : memref<1x256x20xi32, #tpu.memory_space<vmem>>, vector<1x256x1xi32>
    %swap3A_64 = vector.shape_cast %swap3A_63 : vector<1x256x1xi32> to vector<256xi32>
    %swap3A_65 = vector.shape_cast %squeeze3A_59 : vector<256xi32> to vector<1x256x1xi32>
    tpu.vector_store %arg4[%swap3A_60, %swap3A_61, %swap3A_62], %swap3A_65 {strides = array<i32>} : memref<1x256x20xi32, #tpu.memory_space<vmem>>, vector<1x256x1xi32>,
    %eq3A_66 = vector.broadcast %broadcast_in_dim3A_58 : vector<256x1xi32> to vector<256x2048xi32>
    %eq3A_67 = arith.cmpi eq, %iota3A, %eq3A_66 : vector<256x2048xi32>
    %jit3A_68 = arith.constant -1.000000e+30 : f32
    %broadcast_in_dim3A_69 = vector.broadcast %jit3A_68 : f32 to vector<256x2048xf32>
    %select_n3A_70 = arith.select %eq3A_67, %broadcast_in_dim3A_69, %select_n3A_56 : vector<256x2048xi1>, vector<256x2048xf32>
    %argmax3A_71 = tpu.reduce_index %select_n3A_70 {axis = 1 : i32, kind = #tpu.reduction_kind<arg_max>} : vector<256x2048xf32> -> vector<256xi32>
    %broadcast_in_dim3A_72 = vector.shape_cast %argmax3A_71 : vector<256xi32> to vector<256x1xi32>
    %squeeze3A_73 = vector.shape_cast %broadcast_in_dim3A_72 : vector<256x1xi32> to vector<256xi32>
    %swap3A_74 = arith.constant 0 : index
    %swap3A_75 = arith.constant 0 : index
    %swap3A_76 = arith.constant 4 : index
    %swap3A_77 = vector.load %arg4[%swap3A_74, %swap3A_75, %swap3A_76] : memref<1x256x20xi32, #tpu.memory_space<vmem>>, vector<1x256x1xi32>
    %swap3A_78 = vector.shape_cast %swap3A_77 : vector<1x256x1xi32> to vector<256xi32>
    %swap3A_79 = vector.shape_cast %squeeze3A_73 : vector<256xi32> to vector<1x256x1xi32>
    tpu.vector_store %arg4[%swap3A_74, %swap3A_75, %swap3A_76], %swap3A_79 {strides = array<i32>} : memref<1x256x20xi32, #tpu.memory_space<vmem>>, vector<1x256x1xi32>,
    %eq3A_80 = vector.broadcast %broadcast_in_dim3A_72 : vector<256x1xi32> to vector<256x2048xi32>
    %eq3A_81 = arith.cmpi eq, %iota3A, %eq3A_80 : vector<256x2048xi32>
    %jit3A_82 = arith.constant -1.000000e+30 : f32
    %broadcast_in_dim3A_83 = vector.broadcast %jit3A_82 : f32 to vector<256x2048xf32>
    %select_n3A_84 = arith.select %eq3A_81, %broadcast_in_dim3A_83, %select_n3A_70 : vector<256x2048xi1>, vector<256x2048xf32>
    %argmax3A_85 = tpu.reduce_index %select_n3A_84 {axis = 1 : i32, kind = #tpu.reduction_kind<arg_max>} : vector<256x2048xf32> -> vector<256xi32>
    %broadcast_in_dim3A_86 = vector.shape_cast %argmax3A_85 : vector<256xi32> to vector<256x1xi32>
    %squeeze3A_87 = vector.shape_cast %broadcast_in_dim3A_86 : vector<256x1xi32> to vector<256xi32>
    %swap3A_88 = arith.constant 0 : index
    %swap3A_89 = arith.constant 0 : index
    %swap3A_90 = arith.constant 5 : index
    %swap3A_91 = vector.load %arg4[%swap3A_88, %swap3A_89, %swap3A_90] : memref<1x256x20xi32, #tpu.memory_space<vmem>>, vector<1x256x1xi32>
    %swap3A_92 = vector.shape_cast %swap3A_91 : vector<1x256x1xi32> to vector<256xi32>
    %swap3A_93 = vector.shape_cast %squeeze3A_87 : vector<256xi32> to vector<1x256x1xi32>
    tpu.vector_store %arg4[%swap3A_88, %swap3A_89, %swap3A_90], %swap3A_93 {strides = array<i32>} : memref<1x256x20xi32, #tpu.memory_space<vmem>>, vector<1x256x1xi32>,
    %eq3A_94 = vector.broadcast %broadcast_in_dim3A_86 : vector<256x1xi32> to vector<256x2048xi32>
    %eq3A_95 = arith.cmpi eq, %iota3A, %eq3A_94 : vector<256x2048xi32>
    %jit3A_96 = arith.constant -1.000000e+30 : f32
    %broadcast_in_dim3A_97 = vector.broadcast %jit3A_96 : f32 to vector<256x2048xf32>
    %select_n3A_98 = arith.select %eq3A_95, %broadcast_in_dim3A_97, %select_n3A_84 : vector<256x2048xi1>, vector<256x2048xf32>
    %argmax3A_99 = tpu.reduce_index %select_n3A_98 {axis = 1 : i32, kind = #tpu.reduction_kind<arg_max>} : vector<256x2048xf32> -> vector<256xi32>
    %broadcast_in_dim3A_100 = vector.shape_cast %argmax3A_99 : vector<256xi32> to vector<256x1xi32>
    %squeeze3A_101 = vector.shape_cast %broadcast_in_dim3A_100 : vector<256x1xi32> to vector<256xi32>
    %swap3A_102 = arith.constant 0 : index
    %swap3A_103 = arith.constant 0 : index
    %swap3A_104 = arith.constant 6 : index
    %swap3A_105 = vector.load %arg4[%swap3A_102, %swap3A_103, %swap3A_104] : memref<1x256x20xi32, #tpu.memory_space<vmem>>, vector<1x256x1xi32>
    %swap3A_106 = vector.shape_cast %swap3A_105 : vector<1x256x1xi32> to vector<256xi32>
    %swap3A_107 = vector.shape_cast %squeeze3A_101 : vector<256xi32> to vector<1x256x1xi32>
    tpu.vector_store %arg4[%swap3A_102, %swap3A_103, %swap3A_104], %swap3A_107 {strides = array<i32>} : memref<1x256x20xi32, #tpu.memory_space<vmem>>, vector<1x256x1xi32>,
    %eq3A_108 = vector.broadcast %broadcast_in_dim3A_100 : vector<256x1xi32> to vector<256x2048xi32>
    %eq3A_109 = arith.cmpi eq, %iota3A, %eq3A_108 : vector<256x2048xi32>
    %jit3A_110 = arith.constant -1.000000e+30 : f32
    %broadcast_in_dim3A_111 = vector.broadcast %jit3A_110 : f32 to vector<256x2048xf32>
    %select_n3A_112 = arith.select %eq3A_109, %broadcast_in_dim3A_111, %select_n3A_98 : vector<256x2048xi1>, vector<256x2048xf32>
    %argmax3A_113 = tpu.reduce_index %select_n3A_112 {axis = 1 : i32, kind = #tpu.reduction_kind<arg_max>} : vector<256x2048xf32> -> vector<256xi32>
    %broadcast_in_dim3A_114 = vector.shape_cast %argmax3A_113 : vector<256xi32> to vector<256x1xi32>
    %squeeze3A_115 = vector.shape_cast %broadcast_in_dim3A_114 : vector<256x1xi32> to vector<256xi32>
    %swap3A_116 = arith.constant 0 : index
    %swap3A_117 = arith.constant 0 : index
    %swap3A_118 = arith.constant 7 : index
    %swap3A_119 = vector.load %arg4[%swap3A_116, %swap3A_117, %swap3A_118] : memref<1x256x20xi32, #tpu.memory_space<vmem>>, vector<1x256x1xi32>
    %swap3A_120 = vector.shape_cast %swap3A_119 : vector<1x256x1xi32> to vector<256xi32>
    %swap3A_121 = vector.shape_cast %squeeze3A_115 : vector<256xi32> to vector<1x256x1xi32>
    tpu.vector_store %arg4[%swap3A_116, %swap3A_117, %swap3A_118], %swap3A_121 {strides = array<i32>} : memref<1x256x20xi32, #tpu.memory_space<vmem>>, vector<1x256x1xi32>,
    %eq3A_122 = vector.broadcast %broadcast_in_dim3A_114 : vector<256x1xi32> to vector<256x2048xi32>
    %eq3A_123 = arith.cmpi eq, %iota3A, %eq3A_122 : vector<256x2048xi32>
    %jit3A_124 = arith.constant -1.000000e+30 : f32
    %broadcast_in_dim3A_125 = vector.broadcast %jit3A_124 : f32 to vector<256x2048xf32>
    %select_n3A_126 = arith.select %eq3A_123, %broadcast_in_dim3A_125, %select_n3A_112 : vector<256x2048xi1>, vector<256x2048xf32>
    %argmax3A_127 = tpu.reduce_index %select_n3A_126 {axis = 1 : i32, kind = #tpu.reduction_kind<arg_max>} : vector<256x2048xf32> -> vector<256xi32>
    %broadcast_in_dim3A_128 = vector.shape_cast %argmax3A_127 : vector<256xi32> to vector<256x1xi32>
    %squeeze3A_129 = vector.shape_cast %broadcast_in_dim3A_128 : vector<256x1xi32> to vector<256xi32>
    %swap3A_130 = arith.constant 0 : index
    %swap3A_131 = arith.constant 0 : index
    %swap3A_132 = arith.constant 8 : index
    %swap3A_133 = vector.load %arg4[%swap3A_130, %swap3A_131, %swap3A_132] : memref<1x256x20xi32, #tpu.memory_space<vmem>>, vector<1x256x1xi32>
    %swap3A_134 = vector.shape_cast %swap3A_133 : vector<1x256x1xi32> to vector<256xi32>
    %swap3A_135 = vector.shape_cast %squeeze3A_129 : vector<256xi32> to vector<1x256x1xi32>
    tpu.vector_store %arg4[%swap3A_130, %swap3A_131, %swap3A_132], %swap3A_135 {strides = array<i32>} : memref<1x256x20xi32, #tpu.memory_space<vmem>>, vector<1x256x1xi32>,
    %eq3A_136 = vector.broadcast %broadcast_in_dim3A_128 : vector<256x1xi32> to vector<256x2048xi32>
    %eq3A_137 = arith.cmpi eq, %iota3A, %eq3A_136 : vector<256x2048xi32>
    %jit3A_138 = arith.constant -1.000000e+30 : f32
    %broadcast_in_dim3A_139 = vector.broadcast %jit3A_138 : f32 to vector<256x2048xf32>
    %select_n3A_140 = arith.select %eq3A_137, %broadcast_in_dim3A_139, %select_n3A_126 : vector<256x2048xi1>, vector<256x2048xf32>
    %argmax3A_141 = tpu.reduce_index %select_n3A_140 {axis = 1 : i32, kind = #tpu.reduction_kind<arg_max>} : vector<256x2048xf32> -> vector<256xi32>
    %broadcast_in_dim3A_142 = vector.shape_cast %argmax3A_141 : vector<256xi32> to vector<256x1xi32>
    %squeeze3A_143 = vector.shape_cast %broadcast_in_dim3A_142 : vector<256x1xi32> to vector<256xi32>
    %swap3A_144 = arith.constant 0 : index
    %swap3A_145 = arith.constant 0 : index
    %swap3A_146 = arith.constant 9 : index
    %swap3A_147 = vector.load %arg4[%swap3A_144, %swap3A_145, %swap3A_146] : memref<1x256x20xi32, #tpu.memory_space<vmem>>, vector<1x256x1xi32>
    %swap3A_148 = vector.shape_cast %swap3A_147 : vector<1x256x1xi32> to vector<256xi32>
    %swap3A_149 = vector.shape_cast %squeeze3A_143 : vector<256xi32> to vector<1x256x1xi32>
    tpu.vector_store %arg4[%swap3A_144, %swap3A_145, %swap3A_146], %swap3A_149 {strides = array<i32>} : memref<1x256x20xi32, #tpu.memory_space<vmem>>, vector<1x256x1xi32>,
    %eq3A_150 = vector.broadcast %broadcast_in_dim3A_142 : vector<256x1xi32> to vector<256x2048xi32>
    %eq3A_151 = arith.cmpi eq, %iota3A, %eq3A_150 : vector<256x2048xi32>
    %jit3A_152 = arith.constant -1.000000e+30 : f32
    %broadcast_in_dim3A_153 = vector.broadcast %jit3A_152 : f32 to vector<256x2048xf32>
    %select_n3A_154 = arith.select %eq3A_151, %broadcast_in_dim3A_153, %select_n3A_140 : vector<256x2048xi1>, vector<256x2048xf32>
    %argmax3A_155 = tpu.reduce_index %select_n3A_154 {axis = 1 : i32, kind = #tpu.reduction_kind<arg_max>} : vector<256x2048xf32> -> vector<256xi32>
    %broadcast_in_dim3A_156 = vector.shape_cast %argmax3A_155 : vector<256xi32> to vector<256x1xi32>
    %squeeze3A_157 = vector.shape_cast %broadcast_in_dim3A_156 : vector<256x1xi32> to vector<256xi32>
    %swap3A_158 = arith.constant 0 : index
    %swap3A_159 = arith.constant 0 : index
    %swap3A_160 = arith.constant 10 : index
    %swap3A_161 = vector.load %arg4[%swap3A_158, %swap3A_159, %swap3A_160] : memref<1x256x20xi32, #tpu.memory_space<vmem>>, vector<1x256x1xi32>
    %swap3A_162 = vector.shape_cast %swap3A_161 : vector<1x256x1xi32> to vector<256xi32>
    %swap3A_163 = vector.shape_cast %squeeze3A_157 : vector<256xi32> to vector<1x256x1xi32>
    tpu.vector_store %arg4[%swap3A_158, %swap3A_159, %swap3A_160], %swap3A_163 {strides = array<i32>} : memref<1x256x20xi32, #tpu.memory_space<vmem>>, vector<1x256x1xi32>,
    %eq3A_164 = vector.broadcast %broadcast_in_dim3A_156 : vector<256x1xi32> to vector<256x2048xi32>
    %eq3A_165 = arith.cmpi eq, %iota3A, %eq3A_164 : vector<256x2048xi32>
    %jit3A_166 = arith.constant -1.000000e+30 : f32
    %broadcast_in_dim3A_167 = vector.broadcast %jit3A_166 : f32 to vector<256x2048xf32>
    %select_n3A_168 = arith.select %eq3A_165, %broadcast_in_dim3A_167, %select_n3A_154 : vector<256x2048xi1>, vector<256x2048xf32>
    %argmax3A_169 = tpu.reduce_index %select_n3A_168 {axis = 1 : i32, kind = #tpu.reduction_kind<arg_max>} : vector<256x2048xf32> -> vector<256xi32>
    %broadcast_in_dim3A_170 = vector.shape_cast %argmax3A_169 : vector<256xi32> to vector<256x1xi32>
    %squeeze3A_171 = vector.shape_cast %broadcast_in_dim3A_170 : vector<256x1xi32> to vector<256xi32>
    %swap3A_172 = arith.constant 0 : index
    %swap3A_173 = arith.constant 0 : index
    %swap3A_174 = arith.constant 11 : index
    %swap3A_175 = vector.load %arg4[%swap3A_172, %swap3A_173, %swap3A_174] : memref<1x256x20xi32, #tpu.memory_space<vmem>>, vector<1x256x1xi32>
    %swap3A_176 = vector.shape_cast %swap3A_175 : vector<1x256x1xi32> to vector<256xi32>
    %swap3A_177 = vector.shape_cast %squeeze3A_171 : vector<256xi32> to vector<1x256x1xi32>
    tpu.vector_store %arg4[%swap3A_172, %swap3A_173, %swap3A_174], %swap3A_177 {strides = array<i32>} : memref<1x256x20xi32, #tpu.memory_space<vmem>>, vector<1x256x1xi32>,
    %eq3A_178 = vector.broadcast %broadcast_in_dim3A_170 : vector<256x1xi32> to vector<256x2048xi32>
    %eq3A_179 = arith.cmpi eq, %iota3A, %eq3A_178 : vector<256x2048xi32>
    %jit3A_180 = arith.constant -1.000000e+30 : f32
    %broadcast_in_dim3A_181 = vector.broadcast %jit3A_180 : f32 to vector<256x2048xf32>
    %select_n3A_182 = arith.select %eq3A_179, %broadcast_in_dim3A_181, %select_n3A_168 : vector<256x2048xi1>, vector<256x2048xf32>
    %argmax3A_183 = tpu.reduce_index %select_n3A_182 {axis = 1 : i32, kind = #tpu.reduction_kind<arg_max>} : vector<256x2048xf32> -> vector<256xi32>
    %broadcast_in_dim3A_184 = vector.shape_cast %argmax3A_183 : vector<256xi32> to vector<256x1xi32>
    %squeeze3A_185 = vector.shape_cast %broadcast_in_dim3A_184 : vector<256x1xi32> to vector<256xi32>
    %swap3A_186 = arith.constant 0 : index
    %swap3A_187 = arith.constant 0 : index
    %swap3A_188 = arith.constant 12 : index
    %swap3A_189 = vector.load %arg4[%swap3A_186, %swap3A_187, %swap3A_188] : memref<1x256x20xi32, #tpu.memory_space<vmem>>, vector<1x256x1xi32>
    %swap3A_190 = vector.shape_cast %swap3A_189 : vector<1x256x1xi32> to vector<256xi32>
    %swap3A_191 = vector.shape_cast %squeeze3A_185 : vector<256xi32> to vector<1x256x1xi32>
    tpu.vector_store %arg4[%swap3A_186, %swap3A_187, %swap3A_188], %swap3A_191 {strides = array<i32>} : memref<1x256x20xi32, #tpu.memory_space<vmem>>, vector<1x256x1xi32>,
    %eq3A_192 = vector.broadcast %broadcast_in_dim3A_184 : vector<256x1xi32> to vector<256x2048xi32>
    %eq3A_193 = arith.cmpi eq, %iota3A, %eq3A_192 : vector<256x2048xi32>
    %jit3A_194 = arith.constant -1.000000e+30 : f32
    %broadcast_in_dim3A_195 = vector.broadcast %jit3A_194 : f32 to vector<256x2048xf32>
    %select_n3A_196 = arith.select %eq3A_193, %broadcast_in_dim3A_195, %select_n3A_182 : vector<256x2048xi1>, vector<256x2048xf32>
    %argmax3A_197 = tpu.reduce_index %select_n3A_196 {axis = 1 : i32, kind = #tpu.reduction_kind<arg_max>} : vector<256x2048xf32> -> vector<256xi32>
    %broadcast_in_dim3A_198 = vector.shape_cast %argmax3A_197 : vector<256xi32> to vector<256x1xi32>
    %squeeze3A_199 = vector.shape_cast %broadcast_in_dim3A_198 : vector<256x1xi32> to vector<256xi32>
    %swap3A_200 = arith.constant 0 : index
    %swap3A_201 = arith.constant 0 : index
    %swap3A_202 = arith.constant 13 : index
    %swap3A_203 = vector.load %arg4[%swap3A_200, %swap3A_201, %swap3A_202] : memref<1x256x20xi32, #tpu.memory_space<vmem>>, vector<1x256x1xi32>
    %swap3A_204 = vector.shape_cast %swap3A_203 : vector<1x256x1xi32> to vector<256xi32>
    %swap3A_205 = vector.shape_cast %squeeze3A_199 : vector<256xi32> to vector<1x256x1xi32>
    tpu.vector_store %arg4[%swap3A_200, %swap3A_201, %swap3A_202], %swap3A_205 {strides = array<i32>} : memref<1x256x20xi32, #tpu.memory_space<vmem>>, vector<1x256x1xi32>,
    %eq3A_206 = vector.broadcast %broadcast_in_dim3A_198 : vector<256x1xi32> to vector<256x2048xi32>
    %eq3A_207 = arith.cmpi eq, %iota3A, %eq3A_206 : vector<256x2048xi32>
    %jit3A_208 = arith.constant -1.000000e+30 : f32
    %broadcast_in_dim3A_209 = vector.broadcast %jit3A_208 : f32 to vector<256x2048xf32>
    %select_n3A_210 = arith.select %eq3A_207, %broadcast_in_dim3A_209, %select_n3A_196 : vector<256x2048xi1>, vector<256x2048xf32>
    %argmax3A_211 = tpu.reduce_index %select_n3A_210 {axis = 1 : i32, kind = #tpu.reduction_kind<arg_max>} : vector<256x2048xf32> -> vector<256xi32>
    %broadcast_in_dim3A_212 = vector.shape_cast %argmax3A_211 : vector<256xi32> to vector<256x1xi32>
    %squeeze3A_213 = vector.shape_cast %broadcast_in_dim3A_212 : vector<256x1xi32> to vector<256xi32>
    %swap3A_214 = arith.constant 0 : index
    %swap3A_215 = arith.constant 0 : index
    %swap3A_216 = arith.constant 14 : index
    %swap3A_217 = vector.load %arg4[%swap3A_214, %swap3A_215, %swap3A_216] : memref<1x256x20xi32, #tpu.memory_space<vmem>>, vector<1x256x1xi32>
    %swap3A_218 = vector.shape_cast %swap3A_217 : vector<1x256x1xi32> to vector<256xi32>
    %swap3A_219 = vector.shape_cast %squeeze3A_213 : vector<256xi32> to vector<1x256x1xi32>
    tpu.vector_store %arg4[%swap3A_214, %swap3A_215, %swap3A_216], %swap3A_219 {strides = array<i32>} : memref<1x256x20xi32, #tpu.memory_space<vmem>>, vector<1x256x1xi32>,
    %eq3A_220 = vector.broadcast %broadcast_in_dim3A_212 : vector<256x1xi32> to vector<256x2048xi32>
    %eq3A_221 = arith.cmpi eq, %iota3A, %eq3A_220 : vector<256x2048xi32>
    %jit3A_222 = arith.constant -1.000000e+30 : f32
    %broadcast_in_dim3A_223 = vector.broadcast %jit3A_222 : f32 to vector<256x2048xf32>
    %select_n3A_224 = arith.select %eq3A_221, %broadcast_in_dim3A_223, %select_n3A_210 : vector<256x2048xi1>, vector<256x2048xf32>
    %argmax3A_225 = tpu.reduce_index %select_n3A_224 {axis = 1 : i32, kind = #tpu.reduction_kind<arg_max>} : vector<256x2048xf32> -> vector<256xi32>
    %broadcast_in_dim3A_226 = vector.shape_cast %argmax3A_225 : vector<256xi32> to vector<256x1xi32>
    %squeeze3A_227 = vector.shape_cast %broadcast_in_dim3A_226 : vector<256x1xi32> to vector<256xi32>
    %swap3A_228 = arith.constant 0 : index
    %swap3A_229 = arith.constant 0 : index
    %swap3A_230 = arith.constant 15 : index
    %swap3A_231 = vector.load %arg4[%swap3A_228, %swap3A_229, %swap3A_230] : memref<1x256x20xi32, #tpu.memory_space<vmem>>, vector<1x256x1xi32>
    %swap3A_232 = vector.shape_cast %swap3A_231 : vector<1x256x1xi32> to vector<256xi32>
    %swap3A_233 = vector.shape_cast %squeeze3A_227 : vector<256xi32> to vector<1x256x1xi32>
    tpu.vector_store %arg4[%swap3A_228, %swap3A_229, %swap3A_230], %swap3A_233 {strides = array<i32>} : memref<1x256x20xi32, #tpu.memory_space<vmem>>, vector<1x256x1xi32>,
    %eq3A_234 = vector.broadcast %broadcast_in_dim3A_226 : vector<256x1xi32> to vector<256x2048xi32>
    %eq3A_235 = arith.cmpi eq, %iota3A, %eq3A_234 : vector<256x2048xi32>
    %jit3A_236 = arith.constant -1.000000e+30 : f32
    %broadcast_in_dim3A_237 = vector.broadcast %jit3A_236 : f32 to vector<256x2048xf32>
    %select_n3A_238 = arith.select %eq3A_235, %broadcast_in_dim3A_237, %select_n3A_224 : vector<256x2048xi1>, vector<256x2048xf32>
    %argmax3A_239 = tpu.reduce_index %select_n3A_238 {axis = 1 : i32, kind = #tpu.reduction_kind<arg_max>} : vector<256x2048xf32> -> vector<256xi32>
    %broadcast_in_dim3A_240 = vector.shape_cast %argmax3A_239 : vector<256xi32> to vector<256x1xi32>
    %squeeze3A_241 = vector.shape_cast %broadcast_in_dim3A_240 : vector<256x1xi32> to vector<256xi32>
    %swap3A_242 = arith.constant 0 : index
    %swap3A_243 = arith.constant 0 : index
    %swap3A_244 = arith.constant 16 : index
    %swap3A_245 = vector.load %arg4[%swap3A_242, %swap3A_243, %swap3A_244] : memref<1x256x20xi32, #tpu.memory_space<vmem>>, vector<1x256x1xi32>
    %swap3A_246 = vector.shape_cast %swap3A_245 : vector<1x256x1xi32> to vector<256xi32>
    %swap3A_247 = vector.shape_cast %squeeze3A_241 : vector<256xi32> to vector<1x256x1xi32>
    tpu.vector_store %arg4[%swap3A_242, %swap3A_243, %swap3A_244], %swap3A_247 {strides = array<i32>} : memref<1x256x20xi32, #tpu.memory_space<vmem>>, vector<1x256x1xi32>,
    %eq3A_248 = vector.broadcast %broadcast_in_dim3A_240 : vector<256x1xi32> to vector<256x2048xi32>
    %eq3A_249 = arith.cmpi eq, %iota3A, %eq3A_248 : vector<256x2048xi32>
    %jit3A_250 = arith.constant -1.000000e+30 : f32
    %broadcast_in_dim3A_251 = vector.broadcast %jit3A_250 : f32 to vector<256x2048xf32>
    %select_n3A_252 = arith.select %eq3A_249, %broadcast_in_dim3A_251, %select_n3A_238 : vector<256x2048xi1>, vector<256x2048xf32>
    %argmax3A_253 = tpu.reduce_index %select_n3A_252 {axis = 1 : i32, kind = #tpu.reduction_kind<arg_max>} : vector<256x2048xf32> -> vector<256xi32>
    %broadcast_in_dim3A_254 = vector.shape_cast %argmax3A_253 : vector<256xi32> to vector<256x1xi32>
    %squeeze3A_255 = vector.shape_cast %broadcast_in_dim3A_254 : vector<256x1xi32> to vector<256xi32>
    %swap3A_256 = arith.constant 0 : index
    %swap3A_257 = arith.constant 0 : index
    %swap3A_258 = arith.constant 17 : index
    %swap3A_259 = vector.load %arg4[%swap3A_256, %swap3A_257, %swap3A_258] : memref<1x256x20xi32, #tpu.memory_space<vmem>>, vector<1x256x1xi32>
    %swap3A_260 = vector.shape_cast %swap3A_259 : vector<1x256x1xi32> to vector<256xi32>
    %swap3A_261 = vector.shape_cast %squeeze3A_255 : vector<256xi32> to vector<1x256x1xi32>
    tpu.vector_store %arg4[%swap3A_256, %swap3A_257, %swap3A_258], %swap3A_261 {strides = array<i32>} : memref<1x256x20xi32, #tpu.memory_space<vmem>>, vector<1x256x1xi32>,
    %eq3A_262 = vector.broadcast %broadcast_in_dim3A_254 : vector<256x1xi32> to vector<256x2048xi32>
    %eq3A_263 = arith.cmpi eq, %iota3A, %eq3A_262 : vector<256x2048xi32>
    %jit3A_264 = arith.constant -1.000000e+30 : f32
    %broadcast_in_dim3A_265 = vector.broadcast %jit3A_264 : f32 to vector<256x2048xf32>
    %select_n3A_266 = arith.select %eq3A_263, %broadcast_in_dim3A_265, %select_n3A_252 : vector<256x2048xi1>, vector<256x2048xf32>
    %argmax3A_267 = tpu.reduce_index %select_n3A_266 {axis = 1 : i32, kind = #tpu.reduction_kind<arg_max>} : vector<256x2048xf32> -> vector<256xi32>
    %broadcast_in_dim3A_268 = vector.shape_cast %argmax3A_267 : vector<256xi32> to vector<256x1xi32>
    %squeeze3A_269 = vector.shape_cast %broadcast_in_dim3A_268 : vector<256x1xi32> to vector<256xi32>
    %swap3A_270 = arith.constant 0 : index
    %swap3A_271 = arith.constant 0 : index
    %swap3A_272 = arith.constant 18 : index
    %swap3A_273 = vector.load %arg4[%swap3A_270, %swap3A_271, %swap3A_272] : memref<1x256x20xi32, #tpu.memory_space<vmem>>, vector<1x256x1xi32>
    %swap3A_274 = vector.shape_cast %swap3A_273 : vector<1x256x1xi32> to vector<256xi32>
    %swap3A_275 = vector.shape_cast %squeeze3A_269 : vector<256xi32> to vector<1x256x1xi32>
    tpu.vector_store %arg4[%swap3A_270, %swap3A_271, %swap3A_272], %swap3A_275 {strides = array<i32>} : memref<1x256x20xi32, #tpu.memory_space<vmem>>, vector<1x256x1xi32>,
    %eq3A_276 = vector.broadcast %broadcast_in_dim3A_268 : vector<256x1xi32> to vector<256x2048xi32>
    %eq3A_277 = arith.cmpi eq, %iota3A, %eq3A_276 : vector<256x2048xi32>
    %jit3A_278 = arith.constant -1.000000e+30 : f32
    %broadcast_in_dim3A_279 = vector.broadcast %jit3A_278 : f32 to vector<256x2048xf32>
    %select_n3A_280 = arith.select %eq3A_277, %broadcast_in_dim3A_279, %select_n3A_266 : vector<256x2048xi1>, vector<256x2048xf32>
    %argmax3A_281 = tpu.reduce_index %select_n3A_280 {axis = 1 : i32, kind = #tpu.reduction_kind<arg_max>} : vector<256x2048xf32> -> vector<256xi32>
    %broadcast_in_dim3A_282 = vector.shape_cast %argmax3A_281 : vector<256xi32> to vector<256x1xi32>
    %squeeze3A_283 = vector.shape_cast %broadcast_in_dim3A_282 : vector<256x1xi32> to vector<256xi32>
    %swap3A_284 = arith.constant 0 : index
    %swap3A_285 = arith.constant 0 : index
    %swap3A_286 = arith.constant 19 : index
    %swap3A_287 = vector.load %arg4[%swap3A_284, %swap3A_285, %swap3A_286] : memref<1x256x20xi32, #tpu.memory_space<vmem>>, vector<1x256x1xi32>
    %swap3A_288 = vector.shape_cast %swap3A_287 : vector<1x256x1xi32> to vector<256xi32>
    %swap3A_289 = vector.shape_cast %squeeze3A_283 : vector<256xi32> to vector<1x256x1xi32>
    tpu.vector_store %arg4[%swap3A_284, %swap3A_285, %swap3A_286], %swap3A_289 {strides = array<i32>} : memref<1x256x20xi32, #tpu.memory_space<vmem>>, vector<1x256x1xi32>,
    return
  }
  func.func @transform_0(%arg0: i32, %arg1: i32) -> (i32, i32, i32) {
    %c0_i32 = arith.constant 0 : i32
    %c0_i32_0 = arith.constant 0 : i32
    %c0_i32_1 = arith.constant 0 : i32
    return %arg0, %c0_i32, %c0_i32_0 : i32, i32, i32
  }
  func.func @transform_1(%arg0: i32, %arg1: i32) -> (i32, i32, i32) {
    %c0_i32 = arith.constant 0 : i32
    %c0_i32_0 = arith.constant 0 : i32
    return %arg0, %arg1, %c0_i32 : i32, i32, i32
  }
  func.func @transform_2(%arg0: i32, %arg1: i32) -> (i32, i32, i32) {
    %c0_i32 = arith.constant 0 : i32
    %c0_i32_0 = arith.constant 0 : i32
    return %arg0, %arg1, %c0_i32 : i32, i32, i32
  }
}

module attributes {stable_mosaic.version = 14 : i64} {
  func.func @_stats0_kernel(%arg0: i32, %arg1: i32, %arg2: i32, %arg3: memref<1x3x2048xf32, #tpu.memory_space<vmem>>, %arg4: memref<1x3x2048xf32, #tpu.memory_space<vmem>>, %arg5: memref<64x3xf32, #tpu.memory_space<vmem>>, %arg6: memref<64x3xf32, #tpu.memory_space<vmem>>, %arg7: memref<64x1xf32, #tpu.memory_space<vmem>>, %arg8: memref<64x1xf32, #tpu.memory_space<vmem>>, %arg9: memref<64x1xf32, #tpu.memory_space<vmem>>) attributes {dimension_semantics = [#tpu.dimension_semantics<arbitrary>, #tpu.dimension_semantics<arbitrary>, #tpu.dimension_semantics<arbitrary>], iteration_bounds = array<i64: 8, 1, 20>, scalar_prefetch = 0 : i64, scratch_operands = 0 : i64, tpu.core_type = #tpu.core_type<tc>, window_params = [{transform_indices = @transform_0, window_bounds = array<i64: 1, 3, 2048>}, {transform_indices = @transform_1, window_bounds = array<i64: 1, 3, 2048>}, {pipeline_mode = #tpu.pipeline_mode<synchronous>, transform_indices = @transform_2, window_bounds = array<i64: 64, 3>}, {pipeline_mode = #tpu.pipeline_mode<synchronous>, transform_indices = @transform_3, window_bounds = array<i64: 64, 3>}, {pipeline_mode = #tpu.pipeline_mode<synchronous>, transform_indices = @transform_4, window_bounds = array<i64: 64, 1>}, {pipeline_mode = #tpu.pipeline_mode<synchronous>, transform_indices = @transform_5, window_bounds = array<i64: 64, 1>}, {pipeline_mode = #tpu.pipeline_mode<synchronous>, transform_indices = @transform_6, window_bounds = array<i64: 64, 1>}]} {
    %eq3A = arith.constant 0 : i32
    %eq3A_0 = arith.cmpi eq, %arg0, %eq3A : i32
    %eq3A_1 = arith.constant 0 : i32
    %eq3A_2 = arith.cmpi eq, %arg1, %eq3A_1 : i32
    %and3A = arith.andi %eq3A_0, %eq3A_2 : i1
    %eq3A_3 = arith.constant 0 : i32
    %eq3A_4 = arith.cmpi eq, %arg2, %eq3A_3 : i32
    %and3A_5 = arith.andi %and3A, %eq3A_4 : i1
    %get3A = arith.constant 0 : index
    %get3A_6 = arith.constant 0 : index
    %get3A_7 = arith.constant 0 : index
    %get3A_8 = vector.load %arg3[%get3A, %get3A_6, %get3A_7] : memref<1x3x2048xf32, #tpu.memory_space<vmem>>, vector<1x3x2048xf32>
    %get3A_9 = vector.shape_cast %get3A_8 : vector<1x3x2048xf32> to vector<3x2048xf32>
    %get3A_10 = arith.constant 0 : index
    %get3A_11 = arith.constant 0 : index
    %get3A_12 = arith.constant 0 : index
    %get3A_13 = vector.load %arg4[%get3A_10, %get3A_11, %get3A_12] : memref<1x3x2048xf32, #tpu.memory_space<vmem>>, vector<1x3x2048xf32>
    %get3A_14 = vector.shape_cast %get3A_13 : vector<1x3x2048xf32> to vector<3x2048xf32>
    %get3A_15 = arith.constant 0 : index
    %get3A_16 = arith.constant 0 : index
    %get3A_17 = vector.load %arg5[%get3A_15, %get3A_16] : memref<64x3xf32, #tpu.memory_space<vmem>>, vector<64x3xf32>
    %dot_general3A = arith.constant dense<0.000000e+00> : vector<64x2048xf32>
    %dot_general3A_18 = tpu.matmul %get3A_17, %get3A_9, %dot_general3A {dimension_numbers = #tpu.dot_dimension_numbers<[1], [0], [0], [1], [0, 0, 1, 1], [], []>, transpose_lhs_hint = false} : vector<64x3xf32>, vector<3x2048xf32>, vector<64x2048xf32> -> vector<64x2048xf32>
    %get3A_19 = arith.constant 0 : index
    %get3A_20 = arith.constant 0 : index
    %get3A_21 = vector.load %arg6[%get3A_19, %get3A_20] : memref<64x3xf32, #tpu.memory_space<vmem>>, vector<64x3xf32>
    %dot_general3A_22 = arith.constant dense<0.000000e+00> : vector<64x2048xf32>
    %dot_general3A_23 = tpu.matmul %get3A_21, %get3A_14, %dot_general3A_22 {dimension_numbers = #tpu.dot_dimension_numbers<[1], [0], [0], [1], [0, 0, 1, 1], [], []>, transpose_lhs_hint = false} : vector<64x3xf32>, vector<3x2048xf32>, vector<64x2048xf32> -> vector<64x2048xf32>
    %add3A = arith.addf %dot_general3A_18, %dot_general3A_23 : vector<64x2048xf32>
    %get3A_24 = arith.constant 0 : index
    %get3A_25 = arith.constant 0 : index
    %get3A_26 = vector.load %arg7[%get3A_24, %get3A_25] : memref<64x1xf32, #tpu.memory_space<vmem>>, vector<64x1xf32>
    %add3A_27 = vector.broadcast %get3A_26 : vector<64x1xf32> to vector<64x2048xf32>
    %add3A_28 = arith.addf %add3A, %add3A_27 : vector<64x2048xf32>
    %reduce_sum3A = arith.constant dense<0.000000e+00> : vector<64xf32>
    %reduce_sum3A_29 = vector.multi_reduction <add>, %add3A_28, %reduce_sum3A [1] : vector<64x2048xf32> to vector<64xf32>
    %broadcast_in_dim3A = vector.shape_cast %reduce_sum3A_29 : vector<64xf32> to vector<64x1xf32>
    %mul3A = arith.mulf %add3A_28, %add3A_28 : vector<64x2048xf32>
    %reduce_sum3A_30 = arith.constant dense<0.000000e+00> : vector<64xf32>
    %reduce_sum3A_31 = vector.multi_reduction <add>, %mul3A, %reduce_sum3A_30 [1] : vector<64x2048xf32> to vector<64xf32>
    %broadcast_in_dim3A_32 = vector.shape_cast %reduce_sum3A_31 : vector<64xf32> to vector<64x1xf32>
    %get3A_33 = arith.constant 0 : index
    %get3A_34 = arith.constant 0 : index
    %get3A_35 = vector.load %arg8[%get3A_33, %get3A_34] : memref<64x1xf32, #tpu.memory_space<vmem>>, vector<64x1xf32>
    %add3A_36 = arith.addf %get3A_35, %broadcast_in_dim3A : vector<64x1xf32>
    %select_n3A = arith.select %and3A_5, %broadcast_in_dim3A, %add3A_36 : vector<64x1xf32>
    %swap3A = arith.constant 0 : index
    %swap3A_37 = arith.constant 0 : index
    %swap3A_38 = vector.load %arg8[%swap3A, %swap3A_37] : memref<64x1xf32, #tpu.memory_space<vmem>>, vector<64x1xf32>
    tpu.vector_store %arg8[%swap3A, %swap3A_37], %select_n3A {strides = array<i32>} : memref<64x1xf32, #tpu.memory_space<vmem>>, vector<64x1xf32>,
    %get3A_39 = arith.constant 0 : index
    %get3A_40 = arith.constant 0 : index
    %get3A_41 = vector.load %arg9[%get3A_39, %get3A_40] : memref<64x1xf32, #tpu.memory_space<vmem>>, vector<64x1xf32>
    %add3A_42 = arith.addf %get3A_41, %broadcast_in_dim3A_32 : vector<64x1xf32>
    %select_n3A_43 = arith.select %and3A_5, %broadcast_in_dim3A_32, %add3A_42 : vector<64x1xf32>
    %swap3A_44 = arith.constant 0 : index
    %swap3A_45 = arith.constant 0 : index
    %swap3A_46 = vector.load %arg9[%swap3A_44, %swap3A_45] : memref<64x1xf32, #tpu.memory_space<vmem>>, vector<64x1xf32>
    tpu.vector_store %arg9[%swap3A_44, %swap3A_45], %select_n3A_43 {strides = array<i32>} : memref<64x1xf32, #tpu.memory_space<vmem>>, vector<64x1xf32>,
    return
  }
  func.func @transform_0(%arg0: i32, %arg1: i32, %arg2: i32) -> (i32, i32, i32) {
    %c0_i32 = arith.constant 0 : i32
    %c0_i32_0 = arith.constant 0 : i32
    return %arg0, %c0_i32, %arg1 : i32, i32, i32
  }
  func.func @transform_1(%arg0: i32, %arg1: i32, %arg2: i32) -> (i32, i32, i32) {
    %mul3A = arith.constant 20 : i32
    %mul3A_0 = arith.muli %arg0, %mul3A : i32
    %add3A = arith.addi %mul3A_0, %arg2 : i32
    %c0_i32 = arith.constant 0 : i32
    %c0_i32_1 = arith.constant 0 : i32
    return %add3A, %c0_i32, %arg1 : i32, i32, i32
  }
  func.func @transform_2(%arg0: i32, %arg1: i32, %arg2: i32) -> (i32, i32) {
    %c0_i32 = arith.constant 0 : i32
    %c0_i32_0 = arith.constant 0 : i32
    %c0_i32_1 = arith.constant 0 : i32
    return %c0_i32, %c0_i32_0 : i32, i32
  }
  func.func @transform_3(%arg0: i32, %arg1: i32, %arg2: i32) -> (i32, i32) {
    %c0_i32 = arith.constant 0 : i32
    %c0_i32_0 = arith.constant 0 : i32
    %c0_i32_1 = arith.constant 0 : i32
    return %c0_i32, %c0_i32_0 : i32, i32
  }
  func.func @transform_4(%arg0: i32, %arg1: i32, %arg2: i32) -> (i32, i32) {
    %c0_i32 = arith.constant 0 : i32
    %c0_i32_0 = arith.constant 0 : i32
    %c0_i32_1 = arith.constant 0 : i32
    return %c0_i32, %c0_i32_0 : i32, i32
  }
  func.func @transform_5(%arg0: i32, %arg1: i32, %arg2: i32) -> (i32, i32) {
    %c0_i32 = arith.constant 0 : i32
    %c0_i32_0 = arith.constant 0 : i32
    %c0_i32_1 = arith.constant 0 : i32
    return %c0_i32, %c0_i32_0 : i32, i32
  }
  func.func @transform_6(%arg0: i32, %arg1: i32, %arg2: i32) -> (i32, i32) {
    %c0_i32 = arith.constant 0 : i32
    %c0_i32_0 = arith.constant 0 : i32
    %c0_i32_1 = arith.constant 0 : i32
    return %c0_i32, %c0_i32_0 : i32, i32
  }
}

module attributes {stable_mosaic.version = 14 : i64} {
  func.func @_stats1_kernel(%arg0: i32, %arg1: i32, %arg2: i32, %arg3: memref<1x3x2048xf32, #tpu.memory_space<vmem>>, %arg4: memref<1x3x2048xf32, #tpu.memory_space<vmem>>, %arg5: memref<64x3xf32, #tpu.memory_space<vmem>>, %arg6: memref<64x3xf32, #tpu.memory_space<vmem>>, %arg7: memref<64x1xf32, #tpu.memory_space<vmem>>, %arg8: memref<64x64xf32, #tpu.memory_space<vmem>>, %arg9: memref<64x1xf32, #tpu.memory_space<vmem>>, %arg10: memref<64x1xf32, #tpu.memory_space<vmem>>, %arg11: memref<64x1xf32, #tpu.memory_space<vmem>>) attributes {dimension_semantics = [#tpu.dimension_semantics<arbitrary>, #tpu.dimension_semantics<arbitrary>, #tpu.dimension_semantics<arbitrary>], iteration_bounds = array<i64: 8, 1, 20>, scalar_prefetch = 0 : i64, scratch_operands = 0 : i64, tpu.core_type = #tpu.core_type<tc>, window_params = [{transform_indices = @transform_0, window_bounds = array<i64: 1, 3, 2048>}, {transform_indices = @transform_1, window_bounds = array<i64: 1, 3, 2048>}, {pipeline_mode = #tpu.pipeline_mode<synchronous>, transform_indices = @transform_2, window_bounds = array<i64: 64, 3>}, {pipeline_mode = #tpu.pipeline_mode<synchronous>, transform_indices = @transform_3, window_bounds = array<i64: 64, 3>}, {pipeline_mode = #tpu.pipeline_mode<synchronous>, transform_indices = @transform_4, window_bounds = array<i64: 64, 1>}, {pipeline_mode = #tpu.pipeline_mode<synchronous>, transform_indices = @transform_5, window_bounds = array<i64: 64, 64>}, {pipeline_mode = #tpu.pipeline_mode<synchronous>, transform_indices = @transform_6, window_bounds = array<i64: 64, 1>}, {pipeline_mode = #tpu.pipeline_mode<synchronous>, transform_indices = @transform_7, window_bounds = array<i64: 64, 1>}, {pipeline_mode = #tpu.pipeline_mode<synchronous>, transform_indices = @transform_8, window_bounds = array<i64: 64, 1>}]} {
    %eq3A = arith.constant 0 : i32
    %eq3A_0 = arith.cmpi eq, %arg0, %eq3A : i32
    %eq3A_1 = arith.constant 0 : i32
    %eq3A_2 = arith.cmpi eq, %arg1, %eq3A_1 : i32
    %and3A = arith.andi %eq3A_0, %eq3A_2 : i1
    %eq3A_3 = arith.constant 0 : i32
    %eq3A_4 = arith.cmpi eq, %arg2, %eq3A_3 : i32
    %and3A_5 = arith.andi %and3A, %eq3A_4 : i1
    %get3A = arith.constant 0 : index
    %get3A_6 = arith.constant 0 : index
    %get3A_7 = arith.constant 0 : index
    %get3A_8 = vector.load %arg3[%get3A, %get3A_6, %get3A_7] : memref<1x3x2048xf32, #tpu.memory_space<vmem>>, vector<1x3x2048xf32>
    %get3A_9 = vector.shape_cast %get3A_8 : vector<1x3x2048xf32> to vector<3x2048xf32>
    %get3A_10 = arith.constant 0 : index
    %get3A_11 = arith.constant 0 : index
    %get3A_12 = arith.constant 0 : index
    %get3A_13 = vector.load %arg4[%get3A_10, %get3A_11, %get3A_12] : memref<1x3x2048xf32, #tpu.memory_space<vmem>>, vector<1x3x2048xf32>
    %get3A_14 = vector.shape_cast %get3A_13 : vector<1x3x2048xf32> to vector<3x2048xf32>
    %get3A_15 = arith.constant 0 : index
    %get3A_16 = arith.constant 0 : index
    %get3A_17 = vector.load %arg5[%get3A_15, %get3A_16] : memref<64x3xf32, #tpu.memory_space<vmem>>, vector<64x3xf32>
    %dot_general3A = arith.constant dense<0.000000e+00> : vector<64x2048xf32>
    %dot_general3A_18 = tpu.matmul %get3A_17, %get3A_9, %dot_general3A {dimension_numbers = #tpu.dot_dimension_numbers<[1], [0], [0], [1], [0, 0, 1, 1], [], []>, transpose_lhs_hint = false} : vector<64x3xf32>, vector<3x2048xf32>, vector<64x2048xf32> -> vector<64x2048xf32>
    %get3A_19 = arith.constant 0 : index
    %get3A_20 = arith.constant 0 : index
    %get3A_21 = vector.load %arg6[%get3A_19, %get3A_20] : memref<64x3xf32, #tpu.memory_space<vmem>>, vector<64x3xf32>
    %dot_general3A_22 = arith.constant dense<0.000000e+00> : vector<64x2048xf32>
    %dot_general3A_23 = tpu.matmul %get3A_21, %get3A_14, %dot_general3A_22 {dimension_numbers = #tpu.dot_dimension_numbers<[1], [0], [0], [1], [0, 0, 1, 1], [], []>, transpose_lhs_hint = false} : vector<64x3xf32>, vector<3x2048xf32>, vector<64x2048xf32> -> vector<64x2048xf32>
    %add3A = arith.addf %dot_general3A_18, %dot_general3A_23 : vector<64x2048xf32>
    %get3A_24 = arith.constant 0 : index
    %get3A_25 = arith.constant 0 : index
    %get3A_26 = vector.load %arg7[%get3A_24, %get3A_25] : memref<64x1xf32, #tpu.memory_space<vmem>>, vector<64x1xf32>
    %add3A_27 = vector.broadcast %get3A_26 : vector<64x1xf32> to vector<64x2048xf32>
    %add3A_28 = arith.addf %add3A, %add3A_27 : vector<64x2048xf32>
    %ge3A = arith.constant 0.000000e+00 : f32
    %ge3A_29 = vector.broadcast %ge3A : f32 to vector<64x2048xf32>
    %ge3A_30 = arith.cmpf oge, %add3A_28, %ge3A_29 : vector<64x2048xf32>
    %mul3A = arith.constant 2.000000e-01 : f32
    %mul3A_31 = vector.broadcast %mul3A : f32 to vector<64x2048xf32>
    %mul3A_32 = arith.mulf %mul3A_31, %add3A_28 : vector<64x2048xf32>
    %select_n3A = arith.select %ge3A_30, %add3A_28, %mul3A_32 : vector<64x2048xi1>, vector<64x2048xf32>
    %get3A_33 = arith.constant 0 : index
    %get3A_34 = arith.constant 0 : index
    %get3A_35 = vector.load %arg8[%get3A_33, %get3A_34] : memref<64x64xf32, #tpu.memory_space<vmem>>, vector<64x64xf32>
    %dot_general3A_36 = arith.constant dense<0.000000e+00> : vector<64x2048xf32>
    %dot_general3A_37 = tpu.matmul %get3A_35, %select_n3A, %dot_general3A_36 {dimension_numbers = #tpu.dot_dimension_numbers<[1], [0], [0], [1], [0, 0, 1, 1], [], []>, transpose_lhs_hint = false} : vector<64x64xf32>, vector<64x2048xf32>, vector<64x2048xf32> -> vector<64x2048xf32>
    %get3A_38 = arith.constant 0 : index
    %get3A_39 = arith.constant 0 : index
    %get3A_40 = vector.load %arg9[%get3A_38, %get3A_39] : memref<64x1xf32, #tpu.memory_space<vmem>>, vector<64x1xf32>
    %add3A_41 = vector.broadcast %get3A_40 : vector<64x1xf32> to vector<64x2048xf32>
    %add3A_42 = arith.addf %dot_general3A_37, %add3A_41 : vector<64x2048xf32>
    %reduce_sum3A = arith.constant dense<0.000000e+00> : vector<64xf32>
    %reduce_sum3A_43 = vector.multi_reduction <add>, %add3A_42, %reduce_sum3A [1] : vector<64x2048xf32> to vector<64xf32>
    %broadcast_in_dim3A = vector.shape_cast %reduce_sum3A_43 : vector<64xf32> to vector<64x1xf32>
    %mul3A_44 = arith.mulf %add3A_42, %add3A_42 : vector<64x2048xf32>
    %reduce_sum3A_45 = arith.constant dense<0.000000e+00> : vector<64xf32>
    %reduce_sum3A_46 = vector.multi_reduction <add>, %mul3A_44, %reduce_sum3A_45 [1] : vector<64x2048xf32> to vector<64xf32>
    %broadcast_in_dim3A_47 = vector.shape_cast %reduce_sum3A_46 : vector<64xf32> to vector<64x1xf32>
    %get3A_48 = arith.constant 0 : index
    %get3A_49 = arith.constant 0 : index
    %get3A_50 = vector.load %arg10[%get3A_48, %get3A_49] : memref<64x1xf32, #tpu.memory_space<vmem>>, vector<64x1xf32>
    %add3A_51 = arith.addf %get3A_50, %broadcast_in_dim3A : vector<64x1xf32>
    %select_n3A_52 = arith.select %and3A_5, %broadcast_in_dim3A, %add3A_51 : vector<64x1xf32>
    %swap3A = arith.constant 0 : index
    %swap3A_53 = arith.constant 0 : index
    %swap3A_54 = vector.load %arg10[%swap3A, %swap3A_53] : memref<64x1xf32, #tpu.memory_space<vmem>>, vector<64x1xf32>
    tpu.vector_store %arg10[%swap3A, %swap3A_53], %select_n3A_52 {strides = array<i32>} : memref<64x1xf32, #tpu.memory_space<vmem>>, vector<64x1xf32>,
    %get3A_55 = arith.constant 0 : index
    %get3A_56 = arith.constant 0 : index
    %get3A_57 = vector.load %arg11[%get3A_55, %get3A_56] : memref<64x1xf32, #tpu.memory_space<vmem>>, vector<64x1xf32>
    %add3A_58 = arith.addf %get3A_57, %broadcast_in_dim3A_47 : vector<64x1xf32>
    %select_n3A_59 = arith.select %and3A_5, %broadcast_in_dim3A_47, %add3A_58 : vector<64x1xf32>
    %swap3A_60 = arith.constant 0 : index
    %swap3A_61 = arith.constant 0 : index
    %swap3A_62 = vector.load %arg11[%swap3A_60, %swap3A_61] : memref<64x1xf32, #tpu.memory_space<vmem>>, vector<64x1xf32>
    tpu.vector_store %arg11[%swap3A_60, %swap3A_61], %select_n3A_59 {strides = array<i32>} : memref<64x1xf32, #tpu.memory_space<vmem>>, vector<64x1xf32>,
    return
  }
  func.func @transform_0(%arg0: i32, %arg1: i32, %arg2: i32) -> (i32, i32, i32) {
    %c0_i32 = arith.constant 0 : i32
    %c0_i32_0 = arith.constant 0 : i32
    return %arg0, %c0_i32, %arg1 : i32, i32, i32
  }
  func.func @transform_1(%arg0: i32, %arg1: i32, %arg2: i32) -> (i32, i32, i32) {
    %mul3A = arith.constant 20 : i32
    %mul3A_0 = arith.muli %arg0, %mul3A : i32
    %add3A = arith.addi %mul3A_0, %arg2 : i32
    %c0_i32 = arith.constant 0 : i32
    %c0_i32_1 = arith.constant 0 : i32
    return %add3A, %c0_i32, %arg1 : i32, i32, i32
  }
  func.func @transform_2(%arg0: i32, %arg1: i32, %arg2: i32) -> (i32, i32) {
    %c0_i32 = arith.constant 0 : i32
    %c0_i32_0 = arith.constant 0 : i32
    %c0_i32_1 = arith.constant 0 : i32
    return %c0_i32, %c0_i32_0 : i32, i32
  }
  func.func @transform_3(%arg0: i32, %arg1: i32, %arg2: i32) -> (i32, i32) {
    %c0_i32 = arith.constant 0 : i32
    %c0_i32_0 = arith.constant 0 : i32
    %c0_i32_1 = arith.constant 0 : i32
    return %c0_i32, %c0_i32_0 : i32, i32
  }
  func.func @transform_4(%arg0: i32, %arg1: i32, %arg2: i32) -> (i32, i32) {
    %c0_i32 = arith.constant 0 : i32
    %c0_i32_0 = arith.constant 0 : i32
    %c0_i32_1 = arith.constant 0 : i32
    return %c0_i32, %c0_i32_0 : i32, i32
  }
  func.func @transform_5(%arg0: i32, %arg1: i32, %arg2: i32) -> (i32, i32) {
    %c0_i32 = arith.constant 0 : i32
    %c0_i32_0 = arith.constant 0 : i32
    %c0_i32_1 = arith.constant 0 : i32
    return %c0_i32, %c0_i32_0 : i32, i32
  }
  func.func @transform_6(%arg0: i32, %arg1: i32, %arg2: i32) -> (i32, i32) {
    %c0_i32 = arith.constant 0 : i32
    %c0_i32_0 = arith.constant 0 : i32
    %c0_i32_1 = arith.constant 0 : i32
    return %c0_i32, %c0_i32_0 : i32, i32
  }
  func.func @transform_7(%arg0: i32, %arg1: i32, %arg2: i32) -> (i32, i32) {
    %c0_i32 = arith.constant 0 : i32
    %c0_i32_0 = arith.constant 0 : i32
    %c0_i32_1 = arith.constant 0 : i32
    return %c0_i32, %c0_i32_0 : i32, i32
  }
  func.func @transform_8(%arg0: i32, %arg1: i32, %arg2: i32) -> (i32, i32) {
    %c0_i32 = arith.constant 0 : i32
    %c0_i32_0 = arith.constant 0 : i32
    %c0_i32_1 = arith.constant 0 : i32
    return %c0_i32, %c0_i32_0 : i32, i32
  }
}

module attributes {stable_mosaic.version = 14 : i64} {
  func.func @_final_kernel(%arg0: i32, %arg1: i32, %arg2: i32, %arg3: memref<1x3x2048xf32, #tpu.memory_space<vmem>>, %arg4: memref<1x3x2048xf32, #tpu.memory_space<vmem>>, %arg5: memref<64x3xf32, #tpu.memory_space<vmem>>, %arg6: memref<64x3xf32, #tpu.memory_space<vmem>>, %arg7: memref<64x1xf32, #tpu.memory_space<vmem>>, %arg8: memref<64x64xf32, #tpu.memory_space<vmem>>, %arg9: memref<64x1xf32, #tpu.memory_space<vmem>>, %arg10: memref<1x64x2048xf32, #tpu.memory_space<vmem>>) attributes {dimension_semantics = [#tpu.dimension_semantics<arbitrary>, #tpu.dimension_semantics<arbitrary>, #tpu.dimension_semantics<arbitrary>], iteration_bounds = array<i64: 8, 1, 20>, scalar_prefetch = 0 : i64, scratch_operands = 0 : i64, tpu.core_type = #tpu.core_type<tc>, window_params = [{transform_indices = @transform_0, window_bounds = array<i64: 1, 3, 2048>}, {transform_indices = @transform_1, window_bounds = array<i64: 1, 3, 2048>}, {pipeline_mode = #tpu.pipeline_mode<synchronous>, transform_indices = @transform_2, window_bounds = array<i64: 64, 3>}, {pipeline_mode = #tpu.pipeline_mode<synchronous>, transform_indices = @transform_3, window_bounds = array<i64: 64, 3>}, {pipeline_mode = #tpu.pipeline_mode<synchronous>, transform_indices = @transform_4, window_bounds = array<i64: 64, 1>}, {pipeline_mode = #tpu.pipeline_mode<synchronous>, transform_indices = @transform_5, window_bounds = array<i64: 64, 64>}, {pipeline_mode = #tpu.pipeline_mode<synchronous>, transform_indices = @transform_6, window_bounds = array<i64: 64, 1>}, {transform_indices = @transform_7, window_bounds = array<i64: 1, 64, 2048>}]} {
    %get3A = arith.constant 0 : index
    %get3A_0 = arith.constant 0 : index
    %get3A_1 = arith.constant 0 : index
    %get3A_2 = vector.load %arg3[%get3A, %get3A_0, %get3A_1] : memref<1x3x2048xf32, #tpu.memory_space<vmem>>, vector<1x3x2048xf32>
    %get3A_3 = vector.shape_cast %get3A_2 : vector<1x3x2048xf32> to vector<3x2048xf32>
    %get3A_4 = arith.constant 0 : index
    %get3A_5 = arith.constant 0 : index
    %get3A_6 = arith.constant 0 : index
    %get3A_7 = vector.load %arg4[%get3A_4, %get3A_5, %get3A_6] : memref<1x3x2048xf32, #tpu.memory_space<vmem>>, vector<1x3x2048xf32>
    %get3A_8 = vector.shape_cast %get3A_7 : vector<1x3x2048xf32> to vector<3x2048xf32>
    %get3A_9 = arith.constant 0 : index
    %get3A_10 = arith.constant 0 : index
    %get3A_11 = vector.load %arg5[%get3A_9, %get3A_10] : memref<64x3xf32, #tpu.memory_space<vmem>>, vector<64x3xf32>
    %dot_general3A = arith.constant dense<0.000000e+00> : vector<64x2048xf32>
    %dot_general3A_12 = tpu.matmul %get3A_11, %get3A_3, %dot_general3A {dimension_numbers = #tpu.dot_dimension_numbers<[1], [0], [0], [1], [0, 0, 1, 1], [], []>, transpose_lhs_hint = false} : vector<64x3xf32>, vector<3x2048xf32>, vector<64x2048xf32> -> vector<64x2048xf32>
    %get3A_13 = arith.constant 0 : index
    %get3A_14 = arith.constant 0 : index
    %get3A_15 = vector.load %arg6[%get3A_13, %get3A_14] : memref<64x3xf32, #tpu.memory_space<vmem>>, vector<64x3xf32>
    %dot_general3A_16 = arith.constant dense<0.000000e+00> : vector<64x2048xf32>
    %dot_general3A_17 = tpu.matmul %get3A_15, %get3A_8, %dot_general3A_16 {dimension_numbers = #tpu.dot_dimension_numbers<[1], [0], [0], [1], [0, 0, 1, 1], [], []>, transpose_lhs_hint = false} : vector<64x3xf32>, vector<3x2048xf32>, vector<64x2048xf32> -> vector<64x2048xf32>
    %add3A = arith.addf %dot_general3A_12, %dot_general3A_17 : vector<64x2048xf32>
    %get3A_18 = arith.constant 0 : index
    %get3A_19 = arith.constant 0 : index
    %get3A_20 = vector.load %arg7[%get3A_18, %get3A_19] : memref<64x1xf32, #tpu.memory_space<vmem>>, vector<64x1xf32>
    %add3A_21 = vector.broadcast %get3A_20 : vector<64x1xf32> to vector<64x2048xf32>
    %add3A_22 = arith.addf %add3A, %add3A_21 : vector<64x2048xf32>
    %ge3A = arith.constant 0.000000e+00 : f32
    %ge3A_23 = vector.broadcast %ge3A : f32 to vector<64x2048xf32>
    %ge3A_24 = arith.cmpf oge, %add3A_22, %ge3A_23 : vector<64x2048xf32>
    %mul3A = arith.constant 2.000000e-01 : f32
    %mul3A_25 = vector.broadcast %mul3A : f32 to vector<64x2048xf32>
    %mul3A_26 = arith.mulf %mul3A_25, %add3A_22 : vector<64x2048xf32>
    %select_n3A = arith.select %ge3A_24, %add3A_22, %mul3A_26 : vector<64x2048xi1>, vector<64x2048xf32>
    %get3A_27 = arith.constant 0 : index
    %get3A_28 = arith.constant 0 : index
    %get3A_29 = vector.load %arg8[%get3A_27, %get3A_28] : memref<64x64xf32, #tpu.memory_space<vmem>>, vector<64x64xf32>
    %dot_general3A_30 = arith.constant dense<0.000000e+00> : vector<64x2048xf32>
    %dot_general3A_31 = tpu.matmul %get3A_29, %select_n3A, %dot_general3A_30 {dimension_numbers = #tpu.dot_dimension_numbers<[1], [0], [0], [1], [0, 0, 1, 1], [], []>, transpose_lhs_hint = false} : vector<64x64xf32>, vector<64x2048xf32>, vector<64x2048xf32> -> vector<64x2048xf32>
    %get3A_32 = arith.constant 0 : index
    %get3A_33 = arith.constant 0 : index
    %get3A_34 = vector.load %arg9[%get3A_32, %get3A_33] : memref<64x1xf32, #tpu.memory_space<vmem>>, vector<64x1xf32>
    %add3A_35 = vector.broadcast %get3A_34 : vector<64x1xf32> to vector<64x2048xf32>
    %add3A_36 = arith.addf %dot_general3A_31, %add3A_35 : vector<64x2048xf32>
    %ge3A_37 = arith.constant 0.000000e+00 : f32
    %ge3A_38 = vector.broadcast %ge3A_37 : f32 to vector<64x2048xf32>
    %ge3A_39 = arith.cmpf oge, %add3A_36, %ge3A_38 : vector<64x2048xf32>
    %mul3A_40 = arith.constant 2.000000e-01 : f32
    %mul3A_41 = vector.broadcast %mul3A_40 : f32 to vector<64x2048xf32>
    %mul3A_42 = arith.mulf %mul3A_41, %add3A_36 : vector<64x2048xf32>
    %select_n3A_43 = arith.select %ge3A_39, %add3A_36, %mul3A_42 : vector<64x2048xi1>, vector<64x2048xf32>
    %eq3A = arith.constant 0 : i32
    %eq3A_44 = arith.cmpi eq, %arg2, %eq3A : i32
    %get3A_45 = arith.constant 0 : index
    %get3A_46 = arith.constant 0 : index
    %get3A_47 = arith.constant 0 : index
    %get3A_48 = vector.load %arg10[%get3A_45, %get3A_46, %get3A_47] : memref<1x64x2048xf32, #tpu.memory_space<vmem>>, vector<1x64x2048xf32>
    %get3A_49 = vector.shape_cast %get3A_48 : vector<1x64x2048xf32> to vector<64x2048xf32>
    %max3A = arith.maximumf %get3A_49, %select_n3A_43 : vector<64x2048xf32>
    %select_n3A_50 = arith.select %eq3A_44, %select_n3A_43, %max3A : vector<64x2048xf32>
    %swap3A = arith.constant 0 : index
    %swap3A_51 = arith.constant 0 : index
    %swap3A_52 = arith.constant 0 : index
    %swap3A_53 = vector.load %arg10[%swap3A, %swap3A_51, %swap3A_52] : memref<1x64x2048xf32, #tpu.memory_space<vmem>>, vector<1x64x2048xf32>
    %swap3A_54 = vector.shape_cast %swap3A_53 : vector<1x64x2048xf32> to vector<64x2048xf32>
    %swap3A_55 = vector.shape_cast %select_n3A_50 : vector<64x2048xf32> to vector<1x64x2048xf32>
    tpu.vector_store %arg10[%swap3A, %swap3A_51, %swap3A_52], %swap3A_55 {strides = array<i32>} : memref<1x64x2048xf32, #tpu.memory_space<vmem>>, vector<1x64x2048xf32>,
    return
  }
  func.func @transform_0(%arg0: i32, %arg1: i32, %arg2: i32) -> (i32, i32, i32) {
    %c0_i32 = arith.constant 0 : i32
    %c0_i32_0 = arith.constant 0 : i32
    return %arg0, %c0_i32, %arg1 : i32, i32, i32
  }
  func.func @transform_1(%arg0: i32, %arg1: i32, %arg2: i32) -> (i32, i32, i32) {
    %mul3A = arith.constant 20 : i32
    %mul3A_0 = arith.muli %arg0, %mul3A : i32
    %add3A = arith.addi %mul3A_0, %arg2 : i32
    %c0_i32 = arith.constant 0 : i32
    %c0_i32_1 = arith.constant 0 : i32
    return %add3A, %c0_i32, %arg1 : i32, i32, i32
  }
  func.func @transform_2(%arg0: i32, %arg1: i32, %arg2: i32) -> (i32, i32) {
    %c0_i32 = arith.constant 0 : i32
    %c0_i32_0 = arith.constant 0 : i32
    %c0_i32_1 = arith.constant 0 : i32
    return %c0_i32, %c0_i32_0 : i32, i32
  }
  func.func @transform_3(%arg0: i32, %arg1: i32, %arg2: i32) -> (i32, i32) {
    %c0_i32 = arith.constant 0 : i32
    %c0_i32_0 = arith.constant 0 : i32
    %c0_i32_1 = arith.constant 0 : i32
    return %c0_i32, %c0_i32_0 : i32, i32
  }
  func.func @transform_4(%arg0: i32, %arg1: i32, %arg2: i32) -> (i32, i32) {
    %c0_i32 = arith.constant 0 : i32
    %c0_i32_0 = arith.constant 0 : i32
    %c0_i32_1 = arith.constant 0 : i32
    return %c0_i32, %c0_i32_0 : i32, i32
  }
  func.func @transform_5(%arg0: i32, %arg1: i32, %arg2: i32) -> (i32, i32) {
    %c0_i32 = arith.constant 0 : i32
    %c0_i32_0 = arith.constant 0 : i32
    %c0_i32_1 = arith.constant 0 : i32
    return %c0_i32, %c0_i32_0 : i32, i32
  }
  func.func @transform_6(%arg0: i32, %arg1: i32, %arg2: i32) -> (i32, i32) {
    %c0_i32 = arith.constant 0 : i32
    %c0_i32_0 = arith.constant 0 : i32
    %c0_i32_1 = arith.constant 0 : i32
    return %c0_i32, %c0_i32_0 : i32, i32
  }
  func.func @transform_7(%arg0: i32, %arg1: i32, %arg2: i32) -> (i32, i32, i32) {
    %c0_i32 = arith.constant 0 : i32
    %c0_i32_0 = arith.constant 0 : i32
    return %arg0, %c0_i32, %arg1 : i32, i32, i32
  }
}

</mosaic_0001>

<sc_bundles>
// kernel: kernel.7.cloned.1.call-start
scs
__scs_entry_jumppad:
0x0: {  	(pc) =	sbr.rel $0x88, $3  }
0x1: {  	(tag) =	ssettag $0x0;
	lr =	simm.s32 $0x1  }
0x2: {  	[smem:$0x3F98] =	sst lr;
	_ =	strace $0xD0000000  }
0x3: {  	_ = 	snop  }
0x4: {  	_ = 	snop  }
0x5: {  	_ = 	snop  }
0x6: {  	_ = 	snop  }
0x7: {  	_ = 	snop  }
__scs_overlays_trampoline_lowered:
0x8: {  	[smem:$0x3FA7] =	sst s0  }
0x9: {  	[smem:$0x3FA8] =	sst s1  }
0xa: {  	[smem:$0x3FA9] =	sst s2  }
0xb: {  	[smem:$0x3FAA] =	sst s3  }
0xc: {  	[smem:$0x3FAB] =	sst s4  }
0xd: {  	[smem:$0x3FAC] =	sst s5  }
0xe: {  	[smem:$0x3FAD] =	sst s6  }
0xf: {  	[smem:$0x3FAE] =	sst s7  }
0x10: {  	[smem:$0x3FAF] =	sst s8  }
0x11: {  	[smem:$0x3FB0] =	sst s9;
	s0 =	simm.s32 @!p0 $0x0  }
0x12: {  	s1 =	sld [smem:$0x3F96];
	s0 =	simm.s32 @p0 $0x1  }
0x13: {  	[smem:$0x3FB1] =	sst s0;
	s0 =	simm.s32 @!p1 $0x0  }
0x14: {  	s2 =	sld [smem:$0x3F95];
	s0 =	simm.s32 @p1 $0x1  }
0x15: {  	[smem:$0x3FB2] =	sst s0;
	s0 =	simm.s32 @!p2 $0x0  }
0x16: {  	s3 =	sld [smem:$0x3FDB];
	s0 =	simm.s32 @p2 $0x1  }
0x17: {  	s4 =	simm.s32 $0x1BF5;
	[smem:$0x3FB4] =	sst s0  }
0x18: {  	s0 =	sld [smem:$0x3F97];
	_ =	swait.ge [sflag:s4], $0x0  }
0x19: {  	s7 =	sld [smem:$0x3F98]  }
0x1a: {  	s8 =	sadd.s32 $0xFFFFE003, lr  }
0x1b: {  	s9 =	sadd.s32 $0xFFFFFEF7, lr;
	s5 =	simm.s32 $0xFFFFFFFF;
	p2 =	slt.u32 s8, $0xFFFFF086  }
0x1c: {  	p1 =	slt.u32 s9, $0xF7A;
	s5 =	simm.s32 @!p2 $0x0  }
0x1d: {  	s5 =	simm.s32 @p1 $0x1;
	p0 =	seq.s32 s7, s2  }
0x1e: {  	s7 =	smul.u32 @!p0 $0xF7A, s2;
	p2 =	seq.s32 @!p0 s5, $0x0  }
0x1f: {  	s9 =	smul.u32 $0xF7A, s1;
	s8 =	simm.s32 @!p0 $0x1BF5;
	p2 =	por !p2, p0  }
0x20: {  	[sflag:s8] =	ssyncset.s32 @!p0 $0xFFFFF086;
	s6 =	sadd.s32 @!p0 s3, s7;
	s7 =	simm.s32 @!p0 $0x108  }
0x21: {  	s3 =	sadd.s32 s3, s9;
	s6 =	sadd.s32 @!p0 $0x88, s6;
	s7 =	simm.s32 @p2 $0x1082  }
0x22: {  	[simem:s7], [sflag:s8] =	dma.local @!p0 [hbm:s6], $0xF7A  }
0x23: {  	s9 =	sor.u32 $0xD0000000, s2;
	s6 =	simm.s32 $0x108;
	_ =	swait.ge @!p0 [sflag:s8], $0x0  }
0x24: {  	s3 =	sadd.s32 $0x88, s3;
	s6 =	simm.s32 @!p1 $0x1082;
	[sflag:s4] =	ssyncset.s32 $0xFFFFF086  }
0x25: {  	[simem:s6], [sflag:s4] =	dma.local [hbm:s3], $0xF7A  }
0x26: {  	[smem:$0x3F98] =	sst s1;
	(tag) =	ssettag s2;
	_ =	strace s9  }
0x27: {  	s1 =	sld [smem:$0x3FA8]  }
0x28: {  	s2 =	sld [smem:$0x3FA9]  }
0x29: {  	s4 =	sld [smem:$0x3FAB]  }
0x2a: {  	p0 =	seq.s32 s5, $0x0;
	s5 =	sld [smem:$0x3FAC]  }
0x2b: {  	s6 =	sld [smem:$0x3FAD]  }
0x2c: {  	s7 =	sld [smem:$0x3FAE]  }
0x2d: {  	s3 =	simm.s32 $0x108;
	s8 =	sld [smem:$0x3FAF]  }
0x2e: {  	s3 =	simm.s32 @!p0 $0x1082;
	s9 =	sld [smem:$0x3FB0]  }
0x2f: {  	lr =	sadd.s32 s0, s3;
	s0 =	sld [smem:$0x3FA7]  }
0x30: {  	s3 =	sld [smem:$0x3FAA]  }
0x31: {  	[smem:$0x3FB3] =	sst s10  }
0x32: {  	s10 =	sld [smem:$0x3FB1];
	_ =	sdelay $0x3  }
0x33: {  	p0 =	seq.s32 s10, $0x1;
	s10 =	sld [smem:$0x3FB3];
	_ =	sdelay $0x3  }
0x34: {  	[smem:$0x3FB3] =	sst s10  }
0x35: {  	s10 =	sld [smem:$0x3FB2];
	_ =	sdelay $0x3  }
0x36: {  	p1 =	seq.s32 s10, $0x1;
	s10 =	sld [smem:$0x3FB3];
	_ =	sdelay $0x3  }
0x37: {  	[smem:$0x3FB3] =	sst s10  }
0x38: {  	s10 =	sld [smem:$0x3FB4]  }
0x39: {  	_ = 	snop;
	(pc) =	sbr.ind lr, $3  }
0x3a: {  	_ = 	snop  }
0x3b: {  	_ = 	snop  }
0x3c: {  	p2 =	seq.s32 s10, $0x1;
	s10 =	sld [smem:$0x3FB3]  }
0x3d: {  	_ =	shalt  }
0x3e: {  	_ =	shalt  }
0x3f: {  	_ =	shalt  }
0x40: {  	_ =	shalt  }
0x41: {  	_ =	shalt  }
0x42: {  	_ =	shalt  }
0x43: {  	_ =	shalt  }
0x44: {  	_ =	shalt  }
0x45: {  	_ =	shalt  }
0x46: {  	_ =	shalt  }
0x47: {  	_ =	shalt  }
0x48: {  	_ =	shalt  }
0x49: {  	_ =	shalt  }
0x4a: {  	_ =	shalt  }
0x4b: {  	_ =	shalt  }
0x4c: {  	_ =	shalt  }
0x4d: {  	_ =	shalt  }
0x4e: {  	_ =	shalt  }
0x4f: {  	_ =	shalt  }
0x50: {  	_ =	shalt  }
0x51: {  	_ =	shalt  }
0x52: {  	_ =	shalt  }
0x53: {  	_ =	shalt  }
0x54: {  	_ =	shalt  }
0x55: {  	_ =	shalt  }
0x56: {  	_ =	shalt  }
0x57: {  	_ =	shalt  }
0x58: {  	_ =	shalt  }
0x59: {  	_ =	shalt  }
0x5a: {  	_ =	shalt  }
0x5b: {  	_ =	shalt  }
0x5c: {  	_ =	shalt  }
0x5d: {  	_ =	shalt  }
0x5e: {  	_ =	shalt  }
0x5f: {  	_ =	shalt  }
0x60: {  	_ =	shalt  }
0x61: {  	_ =	shalt  }
0x62: {  	_ =	shalt  }
0x63: {  	_ =	shalt  }
0x64: {  	_ =	shalt  }
0x65: {  	_ =	shalt  }
0x66: {  	_ =	shalt  }
0x67: {  	_ =	shalt  }
0x68: {  	_ =	shalt  }
0x69: {  	_ =	shalt  }
0x6a: {  	_ =	shalt  }
0x6b: {  	_ =	shalt  }
0x6c: {  	_ =	shalt  }
0x6d: {  	_ =	shalt  }
0x6e: {  	_ =	shalt  }
0x6f: {  	_ =	shalt  }
0x70: {  	_ =	shalt  }
0x71: {  	_ =	shalt  }
0x72: {  	_ =	shalt  }
0x73: {  	_ =	shalt  }
0x74: {  	_ =	shalt  }
0x75: {  	_ =	shalt  }
0x76: {  	_ =	shalt  }
0x77: {  	_ =	shalt  }
0x78: {  	_ =	shalt  }
0x79: {  	_ =	shalt  }
0x7a: {  	_ =	shalt  }
0x7b: {  	_ =	shalt  }
0x7c: {  	_ =	shalt  }
0x7d: {  	_ =	shalt  }
0x7e: {  	_ =	shalt  }
0x7f: {  	_ =	shalt  }
0x80: {  	_ =	shalt  }
0x81: {  	_ =	shalt  }
0x82: {  	_ =	shalt  }
0x83: {  	_ =	shalt  }
0x84: {  	_ =	shalt  }
0x85: {  	_ =	shalt  }
0x86: {  	_ =	shalt  }
0x87: {  	_ =	shalt  }
.Lfunc_end0:
.L_simem_size_0:
called_computation_lowered:
.L_overlay_start_0:
0x88: {  	s2 =	sld [smem:$0x3FD9]  }
0x89: {  	s3 =	sld [smem:$0x3FFE];
	_ =	sdelay $0x1  }
0x8a: {  	s1 =	srdreg.scid  }
0x8b: {  	s0 =	sand.u32 $0x1, s1  }
0x8c: {  	s17 =	sshll.u32 s0, $0xA;
	s2 =	sadd.s32 s3, s2  }
0x8d: {  	s2 =	sadd.s32 s2, s17  }
0x8e: {  	[smem:$0x3FBF] =	sst s2  }
0x8f: {  	_ = 	snop  }
0x90: {  	s2 =	sld [smem:$0x3FD0];
	(tm) =	ssettm $0x1  }
0x91: {  	s18 =	sld [smem:$0x3FFB];
	_ =	sdelay $0x3  }
0x92: {  	_ =	strace s18  }
0x93: {  	s3 =	sld [smem:$0x3FFC];
	_ =	sdelay $0x3  }
0x94: {  	_ =	strace s3  }
0x95: {  	s3 =	sld [smem:$0x3FFD];
	_ =	sdelay $0x3  }
0x96: {  	_ =	strace s3  }
0x97: {  	_ =	strace $0x8FFFFFFF  }
0x98: {  	s19 =	sld [smem:$0x3FDB];
	_ =	sdelay $0x1  }
0x99: {  	s4 =	simm.s32 $_scs_section_size  }
0x9a: {  	s5 =	simm.s32 $_size__tile_overlayer_lowered;
	s6 =	simm.s32 $_tile_overlayer_lowered  }
0x9b: {  	s22 =	simm.s32 $0x1BFF;
	s21 =	sshll.u32 s6, $0x1;
	s3 =	sadd.s32 s4, s19  }
0x9c: {  	s7 =	simm.s32 $0x0;
	s20 =	sshll.u32 s5, $0x1;
	s5 =	sadd.s32 s21, s3  }
0x9d: {  	[timem:s7], [sflag:s22] =	dma.local [hbm:s5], s20  }
0x9e: {  	_ =	swait.ge [sflag:s22], s20  }
0x9f: {  	s4 =	ssub.s32 $0x0, s20;
	[sflag:s22] =	ssyncset.done $0x0  }
0xa0: {  	[sflag:s22] =	ssyncadd.s32 s4;
	_ =	sdelay $0x1  }
0xa1: {  	s23 =	simm.s32 $0x1B8B  }
0xa2: {  	_ =	swait.ge [sflag:s23], $0x1  }
0xa3: {  	[sflag:s23] =	ssyncset.done $0x0  }
0xa4: {  	s25 =	simm.s32 $0x1B8E;
	s24 =	sld [smem:$0x3FFE];
	[sflag:s23] =	ssyncadd.s32 $0xFFFFFFFF  }
0xa5: {  	s26 =	simm.s32 $execute0_lowered;
	[smem:$0x3FD2] =	sst s25  }
0xa6: {  	s5 =	sshll.u32 s26, $0x1;
	_ =	strace $0x80000046;
	[dreg:$0x1] =	wrdreg $0xFFFFFFFF  }
0xa7: {  	s28 =	simm.s32 $_size_execute0_lowered;
	s3 =	sadd.s32 s3, s5;
	[dreg:$0x0] =	wrdreg $0x0  }
0xa8: {  	s5 =	sshll.u32 s28, $0x1;
	[dreg:$0x2] =	wrdreg s3  }
0xa9: {  	[dreg:$0x3] =	wrdreg s5  }
0xaa: {  	[dreg:$0x4] =	wrdreg $0xC0  }
0xab: {  	_ =	task [dreg:s7], $0x5FFFF  }
0xac: {  	[dreg:$0x1] =	wrdreg $0xFFFFFFFF  }
0xad: {  	[dreg:$0x0] =	wrdreg $0x60  }
0xae: {  	[dreg:$0x2] =	wrdreg s24  }
0xaf: {  	[dreg:$0x3] =	wrdreg s2  }
0xb0: {  	[dreg:$0x4] =	wrdreg $0x9  }
0xb1: {  	_ =	task.clear_ibuf [dreg:s7], $0x5FFFF;
	_ =	strace $0x90000046  }
0xb2: {  	s29 =	simm.s32 $0x9;
	_ =	strace $0x80000048  }
0xb3: {  	_ =	swait.ge [sflag:s29], $0x1  }
0xb4: {  	[sflag:s29] =	ssyncadd.s32 $0xFFFFFFFF  }
0xb5: {  	_ =	strace $0x90000048  }
0xb6: {  	_ =	sfence  }
0xb7: {  	s30 =	sld [smem:$0x0];
	_ =	sdelay $0x2  }
0xb8: {  	s31 =	sshll.u32 s1, $0xD;
	s1 =	sshrl.u32 s1, $0x2  }
0xb9: {  	s3 =	sand.u32 $0x4000, s31;
	s1 =	sadd.s32 s1, s30  }
0xba: {  	s0 =	sor.u32 s3, s0;
	s1 =	sshll.u32 s1, $0x11  }
0xbb: {  	s0 =	sor.u32 s1, s0  }
0xbc: {  	s0 =	sadd.s32 $0x8F2B, s0  }
0xbd: {  	[sflag:s0] =	ssyncadd.remote.s32 $0x1  }
0xbe: {  	_ =	sfence.sel $0xFFFF  }
0xbf: {  	[dreg:$0x0] =	wrdreg $0xFFFFFFFF;
	(pc) =	sbr.abs _section_cstart, $3  }
0xc0: {  	[dreg:$0x1] =	wrdreg $0xFFFFFFFF  }
0xc1: {  	_ =	task.clear_ibuf [dreg:s7], $0x2FFFF;
	_ =	strace $0x9FFFFFFF  }
0xc2: {  	(tm) =	ssettm $0x7FFFFFFF  }
0xc3: {  	_ =	shalt  }
tec
execute0_lowered:
.L_overlay_start_1:
0x0: {  	(tag) =	ssettag $0x1  }
0x1: {  	s5 =	rddreg [dreg:$0x0]  }
0x2: {  	s1 =	rddreg [dreg:$0x1]  }
0x3: {  	s0 =	rddreg [dreg:$0x2];
	s3 =	simm.s32 $0x0;
	s4 =	srdreg.scid  }
0x4: {  	s2 =	stileid.u32;
	s10 =	simm.s32 $0x800;
	s11 =	simm.s32 $0x1  }
0x5: {  	s12 =	simm.s32 $0x2000;
	[smem:$0x7FF] =	sst s3;
	s6 =	sand.u32 $0x1, s4  }
0x6: {  	s8 =	sshll.u32 s2, $0x1;
	s4 =	sadd.s32 $0xE00, s5;
	s7 =	ssub.s32 $0x2, s6  }
0x7: {  	s5 =	sadd.s32 $0xAE00, s5;
	_ =	strace $0x80000047;
	s9 =	sshrl.u32 s7, $0x1  }
0x8: {  	s6 =	sor.u32 s6, s8;
	s8 =	simm.s32 $0x80;
	s7 =	ssub.s32 s7, s9  }
0x9: {  	s6 =	smul.u32 $0x5, s6;
	s9 =	simm.s32 $0x400;
	s7 =	smax.u32 s7, $0x1  }
.LBB2_1:
0xa: {  	s13 =	simm.s32 $0x0  }
.LBB2_2:
0xb: {  	s15 =	sadd.s32 s6, s13  }
0xc: {  	s14 =	smulhi.u32 $0xCCCCCCCD, s15;
	_ =	sdelay $0x1  }
0xd: {  	s16 =	sshrl.u32 s14, $0x7  }
0xe: {  	s14 =	sshll.u32 s14, $0x3;
	s16 =	smul.u32 $0xC000, s16  }
0xf: {  	s14 =	sand.u32 $0x380, s14  }
0x10: {  	s14 =	sor.u32 s14, s16  }
0x11: {  	s14 =	sshrl.u32 s14, $0x3  }
0x12: {  	s14 =	sadd.s32 s5, s14  }
0x13: {  	[tilespmem:s10], [sflag:$0x1] =	stream.strided.gather [hbm4b:s14+s8], $0x1800, s9, s8, $0x38;
	[tilespmem:$0x3800] =	vst v63  }
0x14: {  	s14 =	sshrl.u32 s15, $0x3;
	s15 =	sshll.u32 s15, $0x7  }
0x15: {  	s15 =	sand.u32 $0x380, s15;
	s31 =	sshll.u32 s14, $0xE  }
0x16: {  	_ =	swait.ge [sflag:s11], $0x1800;
	s16 =	sor.u32 s15, s31  }
0x17: {  	[sflag:s11] =	ssyncset.done $0x0;
	s16 =	sshrl.u32 s16, $0x3  }
0x18: {  	[sflag:s11] =	ssyncadd.s32 $0xFFFFE800;
	s17 =	sadd.s32 s4, s16;
	s16 =	simm.s32 $0x0  }
0x19: {  	[tilespmem:s16], [sflag:$0x1] =	stream.strided.gather [hbm4b:s17+s8], $0x800, s9, s8, $0x38;
	[tilespmem:$0x3800] =	vst v63  }
0x1a: {  	_ =	swait.ge [sflag:s11], $0x800  }
0x1b: {  	[sflag:s11] =	ssyncset.done $0x0  }
0x1c: {  	[sflag:s11] =	ssyncadd.s32 $0xFFFFF800  }
0x1d: {  	v0 =	vld [tilespmem:s16+$0x0];
	_ =	sdelay $0x4  }
0x1e: {  	v0 =	vmul.u32 $0x3, v0;
	_ =	sdelay $0x5  }
0x1f: {  	v1 =	vld.idx.msk [tilespmem:v0+s10+$0x0], $0xffff  }
0x20: {  	v2 =	vadd.s32 $0x1, v0;
	_ =	sdelay $0x2  }
0x21: {  	s17 =	simm.s32 $0x2000  }
0x22: {  	[tilespmem:s17+$0x0] =	vst v1  }
0x23: {  	v1 =	vld.idx.msk [tilespmem:v2+s10+$0x0], $0xffff  }
0x24: {  	v0 =	vadd.s32 $0x2, v0;
	_ =	sdelay $0x2  }
0x25: {  	s19 =	sand.u32 $0x7F0, s16  }
0x26: {  	[tilespmem:s19+$0x2800] =	vst v1  }
0x27: {  	s18 =	simm.s32 $0x10;
	v0 =	vld.idx.msk [tilespmem:v0+s10+$0x0], $0xffff  }
.LBB2_3:
0x28: {  	_ =	sdelay $0x3  }
0x29: {  	p0 =	sne.s32 s18, $0x7F0;
	s16 =	sadd.s32 $0x10, s16;
	s17 =	sadd.s32 $0x10, s17;
	[tilespmem:s19+$0x3000] =	vst v0  }
0x2a: {  	s19 =	smov.u32 s18;
	s18 =	sadd.s32 $0x10, s18;
	v0 =	vld [tilespmem:s16+$0x0];
	_ =	sdelay $0x4  }
0x2b: {  	v0 =	vmul.u32 $0x3, v0;
	_ =	sdelay $0x5  }
0x2c: {  	v1 =	vld.idx.msk [tilespmem:v0+s10+$0x0], $0xffff;
	_ =	sdelay $0x1  }
0x2d: {  	v2 =	vadd.s32 $0x1, v0;
	_ =	sdelay $0x3  }
0x2e: {  	[tilespmem:s17+$0x0] =	vst v1  }
0x2f: {  	v1 =	vld.idx.msk [tilespmem:v2+s10+$0x0], $0xffff;
	_ =	sdelay $0x1  }
0x30: {  	v0 =	vadd.s32 $0x2, v0  }
.Ltmp0:
0x31: {  	(pc) =	sbr.rel @p0 .LBB2_3-.Ltmp0, $4  }
0x32: {  	_ = 	snop  }
0x33: {  	s19 =	sand.u32 $0x7F0, s19  }
0x34: {  	[tilespmem:s19+$0x2800] =	vst v1  }
0x35: {  	v0 =	vld.idx.msk [tilespmem:v0+s10+$0x0], $0xffff  }
0x36: {  	s14 =	smul.u32 $0xC000, s14;
	_ =	sdelay $0x1  }
0x37: {  	s13 =	sadd.s32 $0x1, s13;
	s14 =	sor.u32 s15, s14  }
0x38: {  	p0 =	sne.s32 s13, $0x5;
	s14 =	sshrl.u32 s14, $0x3  }
.Ltmp1:
0x39: {  	[tilespmem:s19+$0x3000] =	vst v0;
	s14 =	sadd.s32 s1, s14;
	(pc) =	sbr.rel @p0 .LBB2_2-.Ltmp1, $4  }
0x3a: {  	[hbm4b:s14+s8] =	stream.strided.scatter [tilespmem:s12], [sflag:$0x1], $0x1800, s9, s8, $0x38;
	[tilespmem:$0x3800] =	vst v63  }
0x3b: {  	_ =	swait.ge [sflag:s11], $0x1800  }
0x3c: {  	[sflag:s11] =	ssyncset.done $0x0  }
0x3d: {  	[sflag:s11] =	ssyncadd.s32 $0xFFFFE800  }
0x3e: {  	s3 =	sadd.s32 $0x1, s3  }
0x3f: {  	p0 =	sne.s32 s3, s7  }
.Ltmp2:
0x40: {  	_ = 	snop;
	(pc) =	sbr.rel @p0 .LBB2_1-.Ltmp2, $1  }
0x41: {  	_ =	sdelay $0x3  }
0x42: {  	_ =	sfence.sel $0x180000  }
0x43: {  	[bflag:$0x0] =	sbarrier.arrive $0xFFFF  }
0x44: {  	p0 =	sne.s32 s2, $0x0;
	_ =	strace $0x90000047  }
0x45: {  	s0 =	sadd.s32 @!p0 $0x100000, s0;
	[bflag:$0x2] =	sbarrier.arrive $0xFFFF  }
0x46: {  	[sflag:s0] =	ssyncadd.tile.s32 @!p0 $0x1;
	_ =	shalt  }
.Lfunc_end2:
_tile_overlayer_lowered:
.L_overlay_start_2:
0x47: {  	(tag) =	ssettag $0x2  }
0x48: {  	s0 =	rddreg [dreg:$0x0];
	s2 =	stileid.u32  }
0x49: {  	s1 =	rddreg [dreg:$0x1];
	p0 =	sne.s32 s2, $0x0  }
0x4a: {  	s3 =	rddreg [dreg:$0x2];
	[bflag:$0x3] =	sbarrier.arrive $0xFFFF;
	s2 =	simm.s32 @!p0 $0x1C01  }
0x4b: {  	[timem:s3], [sflag:s2] =	dma.local @!p0 [hbm:s0], s1  }
0x4c: {  	s0 =	simm.s32 @!p0 $0x1  }
0x4d: {  	_ =	swait.ge @!p0 [sflag:s0], s1  }
0x4e: {  	s1 =	ssub.s32 @!p0 $0x0, s1;
	[sflag:s0] =	ssyncset.done @!p0 $0x0  }
0x4f: {  	[sflag:s0] =	ssyncadd.s32 @!p0 s1  }
0x50: {  	[bflag:$0x3] =	sbarrier.arrive $0xFFFF  }
0x51: {  	_ =	shalt  }

</sc_bundles>
